<compile_context>
chip_gen: v7x
topology: tpu7x:2x2x1
jax: 0.10.2.dev20260603
libtpu: 0.0.44.dev20260713+nightly
codegen_flags: <defaults>
</compile_context>

<pallas_src>
import functools

import jax
import jax.numpy as jnp
from jax import lax
from jax.experimental import pallas as pl
from jax.experimental.pallas import tpu as pltpu
from jax.experimental.pallas import tpu_sc as plsc

N_ENT = 100000
N_REL = 32
DIM = 128
HD = DIM // 2
L = 2
N = 1024
K = 64

NB = 64
R = NB * K
GRID = N // NB
NPAIR = 5
BROWS = NPAIR * N * K


def _make_sc_gather(B, C):
    info = plsc.get_sparse_core_info()
    NC, NS = info.num_cores, info.num_subcores
    NW = NC * NS
    per_w = B // NW
    n_pairs = per_w // (2 * C)
    assert per_w % (2 * C) == 0 and B % NW == 0

    mesh = plsc.VectorSubcoreMesh(core_axis_name="c", subcore_axis_name="s")

    @functools.partial(
        pl.kernel,
        mesh=mesh,
        compiler_params=pltpu.CompilerParams(use_tc_tiling_on_sc=False),
        out_type=jax.ShapeDtypeStruct((B, DIM), jnp.int32),
        scratch_types=[
            pltpu.VMEM((C,), jnp.int32),
            pltpu.VMEM((C,), jnp.int32),
            pltpu.VMEM((C,), jnp.int32),
            pltpu.VMEM((C,), jnp.int32),
            pltpu.VMEM((C, HD), jnp.int32),
            pltpu.VMEM((C, HD), jnp.int32),
            pltpu.VMEM((C, HD), jnp.int32),
            pltpu.VMEM((C, HD), jnp.int32),
            pltpu.SemaphoreType.DMA,
            pltpu.SemaphoreType.DMA,
            pltpu.SemaphoreType.DMA,
            pltpu.SemaphoreType.DMA,
        ],
    )
    def gather_k(table_hbm, idxa_hbm, idxb_hbm, out_hbm,
                 ia0, ia1, ib0, ib1, ra0, ra1, rb0, rb1, sg, sg2, sw0, sw1):
        wid = lax.axis_index("s") * NC + lax.axis_index("c")
        base = wid * per_w

        def chunk(off, ia, ib, ra, rb, sw, first):
            pltpu.sync_copy(idxa_hbm.at[pl.ds(off, C)], ia)
            pltpu.sync_copy(idxb_hbm.at[pl.ds(off, C)], ib)
            if not first:
                pltpu.make_async_copy(ra, out_hbm.at[pl.ds(0, C), pl.ds(0, HD)],
                                      sw).wait()
                pltpu.make_async_copy(rb, out_hbm.at[pl.ds(0, C), pl.ds(0, HD)],
                                      sw).wait()
            ga = pltpu.async_copy(table_hbm.at[ia], ra, sg)
            gb = pltpu.async_copy(table_hbm.at[ib], rb, sg2)
            ga.wait()
            gb.wait()
            pltpu.async_copy(ra, out_hbm.at[pl.ds(off, C), pl.ds(0, HD)], sw)
            pltpu.async_copy(rb, out_hbm.at[pl.ds(off, C), pl.ds(HD, HD)], sw)

        chunk(base, ia0, ib0, ra0, rb0, sw0, True)
        chunk(base + C, ia1, ib1, ra1, rb1, sw1, True)

        def body(j, carry):
            off = base + j * (2 * C)
            chunk(off, ia0, ib0, ra0, rb0, sw0, False)
            chunk(off + C, ia1, ib1, ra1, rb1, sw1, False)
            return carry

        lax.fori_loop(1, n_pairs, body, 0)
        for ra, rb, sw in ((ra0, rb0, sw0), (ra1, rb1, sw1)):
            pltpu.make_async_copy(ra, out_hbm.at[pl.ds(0, C), pl.ds(0, HD)],
                                  sw).wait()
            pltpu.make_async_copy(rb, out_hbm.at[pl.ds(0, C), pl.ds(0, HD)],
                                  sw).wait()

    return gather_k


@functools.lru_cache(maxsize=1)
def _sc_gather_cached():
    return (_make_sc_gather(3 * N * K, 384), _make_sc_gather(2 * N * K, 256))


_PACK_ROWS = 4000


def _pack_body(emb_ref, out_ref):
    x = emb_ref[...]
    av = lax.bitcast_convert_type(x[:, :HD], jnp.int32)
    bv = lax.bitcast_convert_type(x[:, HD:], jnp.int32)
    lo = ((av + 0x8000) >> 16) & 0xFFFF
    hi = (bv + 0x8000) & jnp.int32(-65536)
    out_ref[...] = hi | lo


def _pack_table(emb):
    return pl.pallas_call(
        _pack_body,
        grid=(N_ENT // _PACK_ROWS,),
        in_specs=[pl.BlockSpec((_PACK_ROWS, DIM), lambda n: (n, 0))],
        out_specs=pl.BlockSpec((_PACK_ROWS, HD), lambda n: (n, 0)),
        out_shape=jax.ShapeDtypeStruct((N_ENT, HD), jnp.int32),
    )(emb)


def _unpack(x):
    f32 = jnp.float32
    lo = lax.bitcast_convert_type(x << 16, f32).astype(jnp.bfloat16)
    hi = lax.bitcast_convert_type(x, f32).astype(jnp.bfloat16)
    return jnp.concatenate([lo, hi], axis=1)


def _mk_consts(rel_emb, w1l):
    f32 = jnp.float32
    bf16 = jnp.bfloat16
    dotf = functools.partial(jnp.dot, preferred_element_type=f32)
    relW = dotf(rel_emb[...], w1l[...]).astype(bf16)
    jj = lax.broadcasted_iota(jnp.int32, (NB, R), 1)
    nn = lax.broadcasted_iota(jnp.int32, (NB, R), 0)
    seg = ((jj >> 6) == nn).astype(f32)
    segk = (seg * (1.0 / K)).astype(bf16)
    cc = lax.broadcasted_iota(jnp.int32, (N_REL, R), 0)
    return dotf, relW, seg, segk, cc


def _side_layers(acc, pairs, rels, consts, w1u, w2, w3t, b1, b2, b3, wagg):
    f32 = jnp.float32
    bf16 = jnp.bfloat16
    dotf, relW, seg, segk, cc = consts
    b3_ = b3[0:1, 0:1]
    for li, (pw, r_ref) in enumerate(zip(pairs, rels)):
        rrow = r_ref[...].reshape(1, R)
        ohT = (cc == rrow).astype(f32).astype(bf16)
        rb = lax.dot_general(ohT, relW, (((0,), (0,)), ((), ())),
                             preferred_element_type=f32)
        y = jnp.maximum(dotf(_unpack(pw[:, :HD]), w1u[...]) + rb + b1[...], 0.0)
        y = jnp.maximum(dotf(y.astype(bf16), w2[...]) + b2[...], 0.0).astype(bf16)
        lg = lax.dot_general(w3t[...], y, (((1,), (1,)), ((), ())),
                             preferred_element_type=f32)
        ez = jnp.exp(jax.nn.sigmoid(lg + b3_))
        s = seg * ez
        wp = s.astype(bf16)
        num = dotf(wp, _unpack(pw[:, HD:]))
        den = jnp.sum(s, axis=1, keepdims=True)
        el = num / den
        acc = acc + dotf(el.astype(bf16),
                         wagg[(li + 1) * DIM:(li + 2) * DIM, :])
    return acc


def _tc1_body(ur0, ur1, p0, p1, p2,
              rel_emb, w1u, w1l, w2, w3t, b1, b2, b3, wagg, bagg,
              ue_ref, acci_ref):
    bf16 = jnp.bfloat16
    consts = _mk_consts(rel_emb, w1l)
    dotf, _, _, segk, _ = consts
    ent_w = p0[...]
    wagg_ = wagg[...]
    e0u = dotf(segk, _unpack(ent_w[:, :HD]))
    acc = dotf(e0u.astype(bf16), wagg_[0:DIM, :])
    acc = _side_layers(acc, [p1[...], p2[...]], (ur0, ur1), consts,
                       w1u, w2, w3t, b1, b2, b3, wagg_)
    ue_ref[...] = jax.nn.sigmoid(acc + bagg[...])
    e0i = dotf(segk, _unpack(ent_w[:, HD:]))
    acci_ref[...] = dotf(e0i.astype(bf16), wagg_[0:DIM, :])


def _tc2_body(ir0, ir1, p3, p4, ue, acci,
              rel_emb, w1u, w1l, w2, w3t, b1, b2, b3, wagg, bagg, out_ref):
    f32 = jnp.float32
    consts = _mk_consts(rel_emb, w1l)
    acc = _side_layers(acci[...], [p3[...], p4[...]], (ir0, ir1), consts,
                       w1u, w2, w3t, b1, b2, b3, wagg[...])
    ie = jax.nn.sigmoid(acc + bagg[...])
    prod = ue[...] * ie
    ones = jnp.ones((1, DIM), f32)
    v = lax.dot_general(ones, prod, (((1,), (1,)), ((), ())),
                        preferred_element_type=f32)
    out_ref[0] = jax.nn.sigmoid(v)


def _rel_spec(l):
    return pl.BlockSpec((1, 1, R), lambda n, l=l: (l * GRID + n, 0, 0))


def _gath_spec(pair):
    return pl.BlockSpec((R, DIM), lambda n, p=pair: (p * GRID + n, 0))


def _nb_spec():
    return pl.BlockSpec((NB, DIM), lambda n: (n, 0))


def _w_spec(shape):
    nd = len(shape)
    return pl.BlockSpec(shape, lambda n, _z=(0,) * nd: _z)


def _tc_forward(u_rel3, i_rel3, gath_a, gath_b, rel_emb, w1u, w1l, w2, w3t,
                b1, b2, b3, wagg, bagg):
    w_specs = [_w_spec(rel_emb.shape), _w_spec(w1u.shape), _w_spec(w1l.shape),
               _w_spec(w2.shape), _w_spec(w3t.shape), _w_spec(b1.shape),
               _w_spec(b2.shape), _w_spec(b3.shape), _w_spec(wagg.shape),
               _w_spec(bagg.shape)]
    weights = (rel_emb, w1u, w1l, w2, w3t, b1, b2, b3, wagg, bagg)
    ue, acci = pl.pallas_call(
        _tc1_body,
        grid=(GRID,),
        in_specs=([_rel_spec(0), _rel_spec(1)]
                  + [_gath_spec(p) for p in range(3)] + w_specs),
        out_specs=[_nb_spec(), _nb_spec()],
        out_shape=[jax.ShapeDtypeStruct((N, DIM), jnp.float32),
                   jax.ShapeDtypeStruct((N, DIM), jnp.float32)],
    )(u_rel3, u_rel3, gath_a, gath_a, gath_a, *weights)
    out = pl.pallas_call(
        _tc2_body,
        grid=(GRID,),
        in_specs=([_rel_spec(0), _rel_spec(1)]
                  + [_gath_spec(p) for p in range(2)]
                  + [_nb_spec(), _nb_spec()] + w_specs),
        out_specs=pl.BlockSpec((1, 1, NB), lambda n: (n, 0, 0)),
        out_shape=jax.ShapeDtypeStruct((GRID, 1, NB), jnp.float32),
    )(i_rel3, i_rel3, gath_b, gath_b, ue, acci, *weights)
    return out.reshape(N)


def kernel(u_entity, u_heads, u_relations, u_tails, i_entity, i_heads,
           i_relations, i_tails, entity_emb, rel_emb, W1, b1, W2, b2, W3, b3,
           Wagg, bagg):
    idxa_a = jnp.concatenate([
        u_entity.reshape(-1), u_heads.reshape(-1),
    ]).astype(jnp.int32)
    idxb_a = jnp.concatenate([
        i_entity.reshape(-1), u_tails.reshape(-1),
    ]).astype(jnp.int32)
    idxa_b = i_heads.reshape(-1).astype(jnp.int32)
    idxb_b = i_tails.reshape(-1).astype(jnp.int32)
    sc_a, sc_b = _sc_gather_cached()
    packed = _pack_table(entity_emb)
    gath_a = sc_a(packed, idxa_a, idxb_a)
    gath_b = sc_b(packed, idxa_b, idxb_b)

    bf16 = jnp.bfloat16
    u_rel3 = u_relations.reshape(L * GRID, 1, R).astype(jnp.int32)
    i_rel3 = i_relations.reshape(L * GRID, 1, R).astype(jnp.int32)
    w1u = W1[:DIM, :].astype(bf16)
    w1l = W1[DIM:, :].astype(bf16)
    w3t = W3.reshape(1, DIM).astype(bf16)
    b1v = b1.reshape(1, DIM)
    b2v = b2.reshape(1, DIM)
    b3v = jnp.broadcast_to(b3.reshape(1, 1), (1, DIM))
    baggv = bagg.reshape(1, DIM)
    return _tc_forward(u_rel3, i_rel3, gath_a, gath_b, rel_emb.astype(bf16),
                       w1u, w1l, W2.astype(bf16), w3t, b1v, b2v, b3v,
                       Wagg.astype(bf16), baggv)

# --- scband reference (transcript-rebuilt; emitter-appended) ---
"""Pipeline reference for scband-ckan-18004502905361 (READ-ONLY COPY).

The authoritative reference and input builder live on the scoring server;
editing this copy changes nothing except your own understanding.
"""

import jax, jax.numpy as jnp
import numpy as np

N_ENT = 100000
N_REL = 32
DIM = 128
L = 2
N = 1024
K = 64


def setup_inputs(seed: int = 0) -> dict:
    key = jax.random.key(seed)
    ks = jax.random.split(key, 20)
    inp = {}
    inp["u_entity"] = jax.random.randint(ks[0], (N, K), 0, N_ENT)
    inp["u_heads"] = jax.random.randint(ks[1], (L, N, K), 0, N_ENT)
    inp["u_relations"] = jax.random.randint(ks[2], (L, N, K), 0, N_REL)
    inp["u_tails"] = jax.random.randint(ks[3], (L, N, K), 0, N_ENT)
    inp["i_entity"] = jax.random.randint(ks[4], (N, K), 0, N_ENT)
    inp["i_heads"] = jax.random.randint(ks[5], (L, N, K), 0, N_ENT)
    inp["i_relations"] = jax.random.randint(ks[6], (L, N, K), 0, N_REL)
    inp["i_tails"] = jax.random.randint(ks[7], (L, N, K), 0, N_ENT)
    be = float(np.sqrt(6.0 / (N_ENT + DIM)))
    br = float(np.sqrt(6.0 / (N_REL + DIM)))
    inp["entity_emb"] = jax.random.uniform(ks[8], (N_ENT, DIM), minval=-be, maxval=be, dtype=jnp.float32)
    inp["rel_emb"] = jax.random.uniform(ks[9], (N_REL, DIM), minval=-br, maxval=br, dtype=jnp.float32)
    inp["W1"] = jax.random.normal(ks[10], (2 * DIM, DIM), dtype=jnp.float32) * 0.05
    inp["b1"] = jnp.zeros((DIM,), dtype=jnp.float32)
    inp["W2"] = jax.random.normal(ks[11], (DIM, DIM), dtype=jnp.float32) * 0.05
    inp["b2"] = jnp.zeros((DIM,), dtype=jnp.float32)
    inp["W3"] = jax.random.normal(ks[12], (DIM, 1), dtype=jnp.float32) * 0.05
    inp["b3"] = jnp.zeros((1,), dtype=jnp.float32)
    inp["Wagg"] = jax.random.normal(ks[13], ((L + 1) * DIM, DIM), dtype=jnp.float32) * 0.05
    inp["bagg"] = jnp.zeros((DIM,), dtype=jnp.float32)
    return inp


def _dnn(x, W1, b1, W2, b2, W3, b3):
    y = jax.nn.relu(x @ W1 + b1)
    y = jax.nn.relu(y @ W2 + b2)
    return jax.nn.sigmoid(y @ W3 + b3)


def _side_embedding(entity, heads, relations, tails, entity_emb, rel_emb, W1, b1, W2, b2, W3, b3, Wagg, bagg):
    e_list = [jnp.take(entity_emb, entity, axis=0).mean(axis=1)]
    for l in range(L):
        h = jnp.take(entity_emb, heads[l].reshape(-1), axis=0)
        r = jnp.take(rel_emb, relations[l].reshape(-1), axis=0)
        tl = jnp.take(entity_emb, tails[l].reshape(-1), axis=0).reshape(N, K, DIM)
        pi = _dnn(jnp.concatenate([h, r], axis=1), W1, b1, W2, b2, W3, b3)
        pi = jax.nn.softmax(pi.reshape(N, K, 1), axis=1)
        e_list.append((pi * tl).sum(axis=1))
    emb = jnp.concatenate(e_list, axis=1)
    return jax.nn.sigmoid(emb @ Wagg + bagg)


def reference(u_entity, u_heads, u_relations, u_tails, i_entity, i_heads, i_relations, i_tails, entity_emb, rel_emb, W1, b1, W2, b2, W3, b3, Wagg, bagg):
    ue = _side_embedding(u_entity, u_heads, u_relations, u_tails, entity_emb, rel_emb, W1, b1, W2, b2, W3, b3, Wagg, bagg)
    ie = _side_embedding(i_entity, i_heads, i_relations, i_tails, entity_emb, rel_emb, W1, b1, W2, b2, W3, b3, Wagg, bagg)
    return jax.nn.sigmoid((ue * ie).sum(axis=1))

if __name__ == "__main__":
    import jax
    _d = setup_inputs()
    print(jax.jit(kernel)(*tuple(_d.values())))

</pallas_src>

<mosaic_0001>
#map = affine_map<(d0, d1) -> (0, 0)>
#map1 = affine_map<(d0, d1) -> (0)>
module attributes {stable_mosaic.version = 14 : i64} {
  func.func @gather_k(%arg0: i32, %arg1: i32, %arg2: memref<100000x64xi32, #tpu.memory_space<hbm>>, %arg3: memref<196608xi32, #tpu.memory_space<hbm>>, %arg4: memref<196608xi32, #tpu.memory_space<hbm>>, %arg5: memref<196608x128xi32, #tpu.memory_space<hbm>>, %arg6: memref<384xi32, #tpu.memory_space<vmem>>, %arg7: memref<384xi32, #tpu.memory_space<vmem>>, %arg8: memref<384xi32, #tpu.memory_space<vmem>>, %arg9: memref<384xi32, #tpu.memory_space<vmem>>, %arg10: memref<384x64xi32, #tpu.memory_space<vmem>>, %arg11: memref<384x64xi32, #tpu.memory_space<vmem>>, %arg12: memref<384x64xi32, #tpu.memory_space<vmem>>, %arg13: memref<384x64xi32, #tpu.memory_space<vmem>>, %arg14: memref<!tpu.dma_semaphore, #tpu.memory_space<semaphore_mem>>, %arg15: memref<!tpu.dma_semaphore, #tpu.memory_space<semaphore_mem>>, %arg16: memref<!tpu.dma_semaphore, #tpu.memory_space<semaphore_mem>>, %arg17: memref<!tpu.dma_semaphore, #tpu.memory_space<semaphore_mem>>) attributes {dimension_semantics = [#tpu.dimension_semantics<core_parallel>, #tpu.dimension_semantics<subcore_parallel>], iteration_bounds = array<i64: 2, 16>, scalar_prefetch = 0 : i64, scratch_operands = 12 : i64, tpu.core_type = #tpu.core_type<sc_vector_subcore>, window_params = [{transform_indices = #map}, {transform_indices = #map1}, {transform_indices = #map1}, {transform_indices = #map}]} {
    %mul3A = arith.constant 2 : i32
    %mul3A_0 = arith.muli %arg1, %mul3A : i32
    %add3A = arith.addi %mul3A_0, %arg0 : i32
    %mul3A_1 = arith.constant 6144 : i32
    %mul3A_2 = arith.muli %add3A, %mul3A_1 : i32
    "tpu.region"() ({
      %run_scoped3A = tpu.sem_alloc : memref<!tpu.dma_semaphore, #tpu.memory_space<semaphore_mem>>
      %dma_start3A_72 = tpu.memref_slice %arg3[%mul3A_2] : memref<196608xi32, #tpu.memory_space<hbm>> -> memref<384xi32, #tpu.memory_space<hbm>>
      %dma_start3A_73 = tpu.memref_slice %arg3[%mul3A_2] : memref<196608xi32, #tpu.memory_space<hbm>> -> memref<384xi32, #tpu.memory_space<hbm>>
      tpu.enqueue_dma source(%dma_start3A_73 : memref<384xi32, #tpu.memory_space<hbm>>) target(%arg6 : memref<384xi32, #tpu.memory_space<vmem>>) target_semaphore(%run_scoped3A : memref<!tpu.dma_semaphore, #tpu.memory_space<semaphore_mem>>)
      %dma_wait3A_74 = tpu.memref_slice %arg3[%mul3A_2] : memref<196608xi32, #tpu.memory_space<hbm>> -> memref<384xi32, #tpu.memory_space<hbm>>
      %dma_wait3A_75 = tpu.memref_slice %arg3[%mul3A_2] : memref<196608xi32, #tpu.memory_space<hbm>> -> memref<384xi32, #tpu.memory_space<hbm>>
      tpu.wait_dma2 semaphore(%run_scoped3A : memref<!tpu.dma_semaphore, #tpu.memory_space<semaphore_mem>>) src(%dma_wait3A_75 : memref<384xi32, #tpu.memory_space<hbm>>) dst(%arg6 : memref<384xi32, #tpu.memory_space<vmem>>)
      tpu.yield
    }) : () -> ()
    "tpu.region"() ({
      %run_scoped3A = tpu.sem_alloc : memref<!tpu.dma_semaphore, #tpu.memory_space<semaphore_mem>>
      %dma_start3A_72 = tpu.memref_slice %arg4[%mul3A_2] : memref<196608xi32, #tpu.memory_space<hbm>> -> memref<384xi32, #tpu.memory_space<hbm>>
      %dma_start3A_73 = tpu.memref_slice %arg4[%mul3A_2] : memref<196608xi32, #tpu.memory_space<hbm>> -> memref<384xi32, #tpu.memory_space<hbm>>
      tpu.enqueue_dma source(%dma_start3A_73 : memref<384xi32, #tpu.memory_space<hbm>>) target(%arg8 : memref<384xi32, #tpu.memory_space<vmem>>) target_semaphore(%run_scoped3A : memref<!tpu.dma_semaphore, #tpu.memory_space<semaphore_mem>>)
      %dma_wait3A_74 = tpu.memref_slice %arg4[%mul3A_2] : memref<196608xi32, #tpu.memory_space<hbm>> -> memref<384xi32, #tpu.memory_space<hbm>>
      %dma_wait3A_75 = tpu.memref_slice %arg4[%mul3A_2] : memref<196608xi32, #tpu.memory_space<hbm>> -> memref<384xi32, #tpu.memory_space<hbm>>
      tpu.wait_dma2 semaphore(%run_scoped3A : memref<!tpu.dma_semaphore, #tpu.memory_space<semaphore_mem>>) src(%dma_wait3A_75 : memref<384xi32, #tpu.memory_space<hbm>>) dst(%arg8 : memref<384xi32, #tpu.memory_space<vmem>>)
      tpu.yield
    }) : () -> ()
    %dma_start3A = arith.constant 0 : i32
    %dma_start3A_3 = arith.constant 0 : i32
    %dma_start3A_4 = tpu.memref_slice %arg2[%dma_start3A, %dma_start3A_3] : memref<100000x64xi32, #tpu.memory_space<hbm>> -> memref<100000x64xi32, #tpu.memory_space<hbm>>
    tpu.enqueue_indirect_dma source(%dma_start3A_4 : memref<100000x64xi32, #tpu.memory_space<hbm>>) target(%arg10 : memref<384x64xi32, #tpu.memory_space<vmem>>) offsets(%arg6 : memref<384xi32, #tpu.memory_space<vmem>>) semaphore(%arg14 : memref<!tpu.dma_semaphore, #tpu.memory_space<semaphore_mem>>)
    %dma_start3A_5 = arith.constant 0 : i32
    %dma_start3A_6 = arith.constant 0 : i32
    %dma_start3A_7 = tpu.memref_slice %arg2[%dma_start3A_5, %dma_start3A_6] : memref<100000x64xi32, #tpu.memory_space<hbm>> -> memref<100000x64xi32, #tpu.memory_space<hbm>>
    tpu.enqueue_indirect_dma source(%dma_start3A_7 : memref<100000x64xi32, #tpu.memory_space<hbm>>) target(%arg12 : memref<384x64xi32, #tpu.memory_space<vmem>>) offsets(%arg8 : memref<384xi32, #tpu.memory_space<vmem>>) semaphore(%arg15 : memref<!tpu.dma_semaphore, #tpu.memory_space<semaphore_mem>>)
    %dma_wait3A = arith.constant 0 : i32
    %dma_wait3A_8 = arith.constant 0 : i32
    %dma_wait3A_9 = tpu.memref_slice %arg2[%dma_wait3A, %dma_wait3A_8] : memref<100000x64xi32, #tpu.memory_space<hbm>> -> memref<100000x64xi32, #tpu.memory_space<hbm>>
    tpu.wait_indirect_dma semaphore(%arg14 : memref<!tpu.dma_semaphore, #tpu.memory_space<semaphore_mem>>) src(%dma_wait3A_9 : memref<100000x64xi32, #tpu.memory_space<hbm>>) dst(%arg10 : memref<384x64xi32, #tpu.memory_space<vmem>>)
    %dma_wait3A_10 = arith.constant 0 : i32
    %dma_wait3A_11 = arith.constant 0 : i32
    %dma_wait3A_12 = tpu.memref_slice %arg2[%dma_wait3A_10, %dma_wait3A_11] : memref<100000x64xi32, #tpu.memory_space<hbm>> -> memref<100000x64xi32, #tpu.memory_space<hbm>>
    tpu.wait_indirect_dma semaphore(%arg15 : memref<!tpu.dma_semaphore, #tpu.memory_space<semaphore_mem>>) src(%dma_wait3A_12 : memref<100000x64xi32, #tpu.memory_space<hbm>>) dst(%arg12 : memref<384x64xi32, #tpu.memory_space<vmem>>)
    %dma_start3A_13 = arith.constant 0 : i32
    %dma_start3A_14 = tpu.memref_slice %arg5[%mul3A_2, %dma_start3A_13] : memref<196608x128xi32, #tpu.memory_space<hbm>> -> memref<384x64xi32, #tpu.memory_space<hbm>>
    %dma_start3A_15 = arith.constant 0 : i32
    %dma_start3A_16 = tpu.memref_slice %arg5[%mul3A_2, %dma_start3A_15] : memref<196608x128xi32, #tpu.memory_space<hbm>> -> memref<384x64xi32, #tpu.memory_space<hbm>>
    tpu.enqueue_dma source(%arg10 : memref<384x64xi32, #tpu.memory_space<vmem>>) target(%dma_start3A_16 : memref<384x64xi32, #tpu.memory_space<hbm>>) target_semaphore(%arg16 : memref<!tpu.dma_semaphore, #tpu.memory_space<semaphore_mem>>)
    %dma_start3A_17 = arith.constant 64 : i32
    %dma_start3A_18 = tpu.memref_slice %arg5[%mul3A_2, %dma_start3A_17] : memref<196608x128xi32, #tpu.memory_space<hbm>> -> memref<384x64xi32, #tpu.memory_space<hbm>>
    %dma_start3A_19 = arith.constant 64 : i32
    %dma_start3A_20 = tpu.memref_slice %arg5[%mul3A_2, %dma_start3A_19] : memref<196608x128xi32, #tpu.memory_space<hbm>> -> memref<384x64xi32, #tpu.memory_space<hbm>>
    tpu.enqueue_dma source(%arg12 : memref<384x64xi32, #tpu.memory_space<vmem>>) target(%dma_start3A_20 : memref<384x64xi32, #tpu.memory_space<hbm>>) target_semaphore(%arg16 : memref<!tpu.dma_semaphore, #tpu.memory_space<semaphore_mem>>)
    %add3A_21 = arith.constant 384 : i32
    %add3A_22 = arith.addi %mul3A_2, %add3A_21 : i32
    "tpu.region"() ({
      %run_scoped3A = tpu.sem_alloc : memref<!tpu.dma_semaphore, #tpu.memory_space<semaphore_mem>>
      %dma_start3A_72 = tpu.memref_slice %arg3[%add3A_22] : memref<196608xi32, #tpu.memory_space<hbm>> -> memref<384xi32, #tpu.memory_space<hbm>>
      %dma_start3A_73 = tpu.memref_slice %arg3[%add3A_22] : memref<196608xi32, #tpu.memory_space<hbm>> -> memref<384xi32, #tpu.memory_space<hbm>>
      tpu.enqueue_dma source(%dma_start3A_73 : memref<384xi32, #tpu.memory_space<hbm>>) target(%arg7 : memref<384xi32, #tpu.memory_space<vmem>>) target_semaphore(%run_scoped3A : memref<!tpu.dma_semaphore, #tpu.memory_space<semaphore_mem>>)
      %dma_wait3A_74 = tpu.memref_slice %arg3[%add3A_22] : memref<196608xi32, #tpu.memory_space<hbm>> -> memref<384xi32, #tpu.memory_space<hbm>>
      %dma_wait3A_75 = tpu.memref_slice %arg3[%add3A_22] : memref<196608xi32, #tpu.memory_space<hbm>> -> memref<384xi32, #tpu.memory_space<hbm>>
      tpu.wait_dma2 semaphore(%run_scoped3A : memref<!tpu.dma_semaphore, #tpu.memory_space<semaphore_mem>>) src(%dma_wait3A_75 : memref<384xi32, #tpu.memory_space<hbm>>) dst(%arg7 : memref<384xi32, #tpu.memory_space<vmem>>)
      tpu.yield
    }) : () -> ()
    "tpu.region"() ({
      %run_scoped3A = tpu.sem_alloc : memref<!tpu.dma_semaphore, #tpu.memory_space<semaphore_mem>>
      %dma_start3A_72 = tpu.memref_slice %arg4[%add3A_22] : memref<196608xi32, #tpu.memory_space<hbm>> -> memref<384xi32, #tpu.memory_space<hbm>>
      %dma_start3A_73 = tpu.memref_slice %arg4[%add3A_22] : memref<196608xi32, #tpu.memory_space<hbm>> -> memref<384xi32, #tpu.memory_space<hbm>>
      tpu.enqueue_dma source(%dma_start3A_73 : memref<384xi32, #tpu.memory_space<hbm>>) target(%arg9 : memref<384xi32, #tpu.memory_space<vmem>>) target_semaphore(%run_scoped3A : memref<!tpu.dma_semaphore, #tpu.memory_space<semaphore_mem>>)
      %dma_wait3A_74 = tpu.memref_slice %arg4[%add3A_22] : memref<196608xi32, #tpu.memory_space<hbm>> -> memref<384xi32, #tpu.memory_space<hbm>>
      %dma_wait3A_75 = tpu.memref_slice %arg4[%add3A_22] : memref<196608xi32, #tpu.memory_space<hbm>> -> memref<384xi32, #tpu.memory_space<hbm>>
      tpu.wait_dma2 semaphore(%run_scoped3A : memref<!tpu.dma_semaphore, #tpu.memory_space<semaphore_mem>>) src(%dma_wait3A_75 : memref<384xi32, #tpu.memory_space<hbm>>) dst(%arg9 : memref<384xi32, #tpu.memory_space<vmem>>)
      tpu.yield
    }) : () -> ()
    %dma_start3A_23 = arith.constant 0 : i32
    %dma_start3A_24 = arith.constant 0 : i32
    %dma_start3A_25 = tpu.memref_slice %arg2[%dma_start3A_23, %dma_start3A_24] : memref<100000x64xi32, #tpu.memory_space<hbm>> -> memref<100000x64xi32, #tpu.memory_space<hbm>>
    tpu.enqueue_indirect_dma source(%dma_start3A_25 : memref<100000x64xi32, #tpu.memory_space<hbm>>) target(%arg11 : memref<384x64xi32, #tpu.memory_space<vmem>>) offsets(%arg7 : memref<384xi32, #tpu.memory_space<vmem>>) semaphore(%arg14 : memref<!tpu.dma_semaphore, #tpu.memory_space<semaphore_mem>>)
    %dma_start3A_26 = arith.constant 0 : i32
    %dma_start3A_27 = arith.constant 0 : i32
    %dma_start3A_28 = tpu.memref_slice %arg2[%dma_start3A_26, %dma_start3A_27] : memref<100000x64xi32, #tpu.memory_space<hbm>> -> memref<100000x64xi32, #tpu.memory_space<hbm>>
    tpu.enqueue_indirect_dma source(%dma_start3A_28 : memref<100000x64xi32, #tpu.memory_space<hbm>>) target(%arg13 : memref<384x64xi32, #tpu.memory_space<vmem>>) offsets(%arg9 : memref<384xi32, #tpu.memory_space<vmem>>) semaphore(%arg15 : memref<!tpu.dma_semaphore, #tpu.memory_space<semaphore_mem>>)
    %dma_wait3A_29 = arith.constant 0 : i32
    %dma_wait3A_30 = arith.constant 0 : i32
    %dma_wait3A_31 = tpu.memref_slice %arg2[%dma_wait3A_29, %dma_wait3A_30] : memref<100000x64xi32, #tpu.memory_space<hbm>> -> memref<100000x64xi32, #tpu.memory_space<hbm>>
    tpu.wait_indirect_dma semaphore(%arg14 : memref<!tpu.dma_semaphore, #tpu.memory_space<semaphore_mem>>) src(%dma_wait3A_31 : memref<100000x64xi32, #tpu.memory_space<hbm>>) dst(%arg11 : memref<384x64xi32, #tpu.memory_space<vmem>>)
    %dma_wait3A_32 = arith.constant 0 : i32
    %dma_wait3A_33 = arith.constant 0 : i32
    %dma_wait3A_34 = tpu.memref_slice %arg2[%dma_wait3A_32, %dma_wait3A_33] : memref<100000x64xi32, #tpu.memory_space<hbm>> -> memref<100000x64xi32, #tpu.memory_space<hbm>>
    tpu.wait_indirect_dma semaphore(%arg15 : memref<!tpu.dma_semaphore, #tpu.memory_space<semaphore_mem>>) src(%dma_wait3A_34 : memref<100000x64xi32, #tpu.memory_space<hbm>>) dst(%arg13 : memref<384x64xi32, #tpu.memory_space<vmem>>)
    %dma_start3A_35 = arith.constant 0 : i32
    %dma_start3A_36 = tpu.memref_slice %arg5[%add3A_22, %dma_start3A_35] : memref<196608x128xi32, #tpu.memory_space<hbm>> -> memref<384x64xi32, #tpu.memory_space<hbm>>
    %dma_start3A_37 = arith.constant 0 : i32
    %dma_start3A_38 = tpu.memref_slice %arg5[%add3A_22, %dma_start3A_37] : memref<196608x128xi32, #tpu.memory_space<hbm>> -> memref<384x64xi32, #tpu.memory_space<hbm>>
    tpu.enqueue_dma source(%arg11 : memref<384x64xi32, #tpu.memory_space<vmem>>) target(%dma_start3A_38 : memref<384x64xi32, #tpu.memory_space<hbm>>) target_semaphore(%arg17 : memref<!tpu.dma_semaphore, #tpu.memory_space<semaphore_mem>>)
    %dma_start3A_39 = arith.constant 64 : i32
    %dma_start3A_40 = tpu.memref_slice %arg5[%add3A_22, %dma_start3A_39] : memref<196608x128xi32, #tpu.memory_space<hbm>> -> memref<384x64xi32, #tpu.memory_space<hbm>>
    %dma_start3A_41 = arith.constant 64 : i32
    %dma_start3A_42 = tpu.memref_slice %arg5[%add3A_22, %dma_start3A_41] : memref<196608x128xi32, #tpu.memory_space<hbm>> -> memref<384x64xi32, #tpu.memory_space<hbm>>
    tpu.enqueue_dma source(%arg13 : memref<384x64xi32, #tpu.memory_space<vmem>>) target(%dma_start3A_42 : memref<384x64xi32, #tpu.memory_space<hbm>>) target_semaphore(%arg17 : memref<!tpu.dma_semaphore, #tpu.memory_space<semaphore_mem>>)
    %scan3A = arith.constant 0 : i32
    %scan3A_43 = arith.constant 1 : i32
    %scan3A_44 = arith.constant 7 : i32
    %scan3A_45 = arith.addi %scan3A_43, %scan3A_44 : i32
    %scan3A_46 = arith.constant 1 : i32
    scf.for %scan3A_72 = %scan3A_43 to %scan3A_45 step %scan3A_46  : i32 {
      %mul3A_73 = arith.constant 768 : i32
      %mul3A_74 = arith.muli %scan3A_72, %mul3A_73 : i32
      %add3A_75 = arith.addi %mul3A_2, %mul3A_74 : i32
      "tpu.region"() ({
        %run_scoped3A = tpu.sem_alloc : memref<!tpu.dma_semaphore, #tpu.memory_space<semaphore_mem>>
        %dma_start3A_142 = tpu.memref_slice %arg3[%add3A_75] : memref<196608xi32, #tpu.memory_space<hbm>> -> memref<384xi32, #tpu.memory_space<hbm>>
        %dma_start3A_143 = tpu.memref_slice %arg3[%add3A_75] : memref<196608xi32, #tpu.memory_space<hbm>> -> memref<384xi32, #tpu.memory_space<hbm>>
        tpu.enqueue_dma source(%dma_start3A_143 : memref<384xi32, #tpu.memory_space<hbm>>) target(%arg6 : memref<384xi32, #tpu.memory_space<vmem>>) target_semaphore(%run_scoped3A : memref<!tpu.dma_semaphore, #tpu.memory_space<semaphore_mem>>)
        %dma_wait3A_144 = tpu.memref_slice %arg3[%add3A_75] : memref<196608xi32, #tpu.memory_space<hbm>> -> memref<384xi32, #tpu.memory_space<hbm>>
        %dma_wait3A_145 = tpu.memref_slice %arg3[%add3A_75] : memref<196608xi32, #tpu.memory_space<hbm>> -> memref<384xi32, #tpu.memory_space<hbm>>
        tpu.wait_dma2 semaphore(%run_scoped3A : memref<!tpu.dma_semaphore, #tpu.memory_space<semaphore_mem>>) src(%dma_wait3A_145 : memref<384xi32, #tpu.memory_space<hbm>>) dst(%arg6 : memref<384xi32, #tpu.memory_space<vmem>>)
        tpu.yield
      }) : () -> ()
      "tpu.region"() ({
        %run_scoped3A = tpu.sem_alloc : memref<!tpu.dma_semaphore, #tpu.memory_space<semaphore_mem>>
        %dma_start3A_142 = tpu.memref_slice %arg4[%add3A_75] : memref<196608xi32, #tpu.memory_space<hbm>> -> memref<384xi32, #tpu.memory_space<hbm>>
        %dma_start3A_143 = tpu.memref_slice %arg4[%add3A_75] : memref<196608xi32, #tpu.memory_space<hbm>> -> memref<384xi32, #tpu.memory_space<hbm>>
        tpu.enqueue_dma source(%dma_start3A_143 : memref<384xi32, #tpu.memory_space<hbm>>) target(%arg8 : memref<384xi32, #tpu.memory_space<vmem>>) target_semaphore(%run_scoped3A : memref<!tpu.dma_semaphore, #tpu.memory_space<semaphore_mem>>)
        %dma_wait3A_144 = tpu.memref_slice %arg4[%add3A_75] : memref<196608xi32, #tpu.memory_space<hbm>> -> memref<384xi32, #tpu.memory_space<hbm>>
        %dma_wait3A_145 = tpu.memref_slice %arg4[%add3A_75] : memref<196608xi32, #tpu.memory_space<hbm>> -> memref<384xi32, #tpu.memory_space<hbm>>
        tpu.wait_dma2 semaphore(%run_scoped3A : memref<!tpu.dma_semaphore, #tpu.memory_space<semaphore_mem>>) src(%dma_wait3A_145 : memref<384xi32, #tpu.memory_space<hbm>>) dst(%arg8 : memref<384xi32, #tpu.memory_space<vmem>>)
        tpu.yield
      }) : () -> ()
      %dma_wait3A_76 = arith.constant 0 : i32
      %dma_wait3A_77 = arith.constant 0 : i32
      %dma_wait3A_78 = tpu.memref_slice %arg5[%dma_wait3A_76, %dma_wait3A_77] : memref<196608x128xi32, #tpu.memory_space<hbm>> -> memref<384x64xi32, #tpu.memory_space<hbm>>
      %dma_wait3A_79 = arith.constant 0 : i32
      %dma_wait3A_80 = arith.constant 0 : i32
      %dma_wait3A_81 = tpu.memref_slice %arg5[%dma_wait3A_79, %dma_wait3A_80] : memref<196608x128xi32, #tpu.memory_space<hbm>> -> memref<384x64xi32, #tpu.memory_space<hbm>>
      tpu.wait_dma2 semaphore(%arg16 : memref<!tpu.dma_semaphore, #tpu.memory_space<semaphore_mem>>) src(%arg10 : memref<384x64xi32, #tpu.memory_space<vmem>>) dst(%dma_wait3A_81 : memref<384x64xi32, #tpu.memory_space<hbm>>)
      %dma_wait3A_82 = arith.constant 0 : i32
      %dma_wait3A_83 = arith.constant 0 : i32
      %dma_wait3A_84 = tpu.memref_slice %arg5[%dma_wait3A_82, %dma_wait3A_83] : memref<196608x128xi32, #tpu.memory_space<hbm>> -> memref<384x64xi32, #tpu.memory_space<hbm>>
      %dma_wait3A_85 = arith.constant 0 : i32
      %dma_wait3A_86 = arith.constant 0 : i32
      %dma_wait3A_87 = tpu.memref_slice %arg5[%dma_wait3A_85, %dma_wait3A_86] : memref<196608x128xi32, #tpu.memory_space<hbm>> -> memref<384x64xi32, #tpu.memory_space<hbm>>
      tpu.wait_dma2 semaphore(%arg16 : memref<!tpu.dma_semaphore, #tpu.memory_space<semaphore_mem>>) src(%arg12 : memref<384x64xi32, #tpu.memory_space<vmem>>) dst(%dma_wait3A_87 : memref<384x64xi32, #tpu.memory_space<hbm>>)
      %dma_start3A_88 = arith.constant 0 : i32
      %dma_start3A_89 = arith.constant 0 : i32
      %dma_start3A_90 = tpu.memref_slice %arg2[%dma_start3A_88, %dma_start3A_89] : memref<100000x64xi32, #tpu.memory_space<hbm>> -> memref<100000x64xi32, #tpu.memory_space<hbm>>
      tpu.enqueue_indirect_dma source(%dma_start3A_90 : memref<100000x64xi32, #tpu.memory_space<hbm>>) target(%arg10 : memref<384x64xi32, #tpu.memory_space<vmem>>) offsets(%arg6 : memref<384xi32, #tpu.memory_space<vmem>>) semaphore(%arg14 : memref<!tpu.dma_semaphore, #tpu.memory_space<semaphore_mem>>)
      %dma_start3A_91 = arith.constant 0 : i32
      %dma_start3A_92 = arith.constant 0 : i32
      %dma_start3A_93 = tpu.memref_slice %arg2[%dma_start3A_91, %dma_start3A_92] : memref<100000x64xi32, #tpu.memory_space<hbm>> -> memref<100000x64xi32, #tpu.memory_space<hbm>>
      tpu.enqueue_indirect_dma source(%dma_start3A_93 : memref<100000x64xi32, #tpu.memory_space<hbm>>) target(%arg12 : memref<384x64xi32, #tpu.memory_space<vmem>>) offsets(%arg8 : memref<384xi32, #tpu.memory_space<vmem>>) semaphore(%arg15 : memref<!tpu.dma_semaphore, #tpu.memory_space<semaphore_mem>>)
      %dma_wait3A_94 = arith.constant 0 : i32
      %dma_wait3A_95 = arith.constant 0 : i32
      %dma_wait3A_96 = tpu.memref_slice %arg2[%dma_wait3A_94, %dma_wait3A_95] : memref<100000x64xi32, #tpu.memory_space<hbm>> -> memref<100000x64xi32, #tpu.memory_space<hbm>>
      tpu.wait_indirect_dma semaphore(%arg14 : memref<!tpu.dma_semaphore, #tpu.memory_space<semaphore_mem>>) src(%dma_wait3A_96 : memref<100000x64xi32, #tpu.memory_space<hbm>>) dst(%arg10 : memref<384x64xi32, #tpu.memory_space<vmem>>)
      %dma_wait3A_97 = arith.constant 0 : i32
      %dma_wait3A_98 = arith.constant 0 : i32
      %dma_wait3A_99 = tpu.memref_slice %arg2[%dma_wait3A_97, %dma_wait3A_98] : memref<100000x64xi32, #tpu.memory_space<hbm>> -> memref<100000x64xi32, #tpu.memory_space<hbm>>
      tpu.wait_indirect_dma semaphore(%arg15 : memref<!tpu.dma_semaphore, #tpu.memory_space<semaphore_mem>>) src(%dma_wait3A_99 : memref<100000x64xi32, #tpu.memory_space<hbm>>) dst(%arg12 : memref<384x64xi32, #tpu.memory_space<vmem>>)
      %dma_start3A_100 = arith.constant 0 : i32
      %dma_start3A_101 = tpu.memref_slice %arg5[%add3A_75, %dma_start3A_100] : memref<196608x128xi32, #tpu.memory_space<hbm>> -> memref<384x64xi32, #tpu.memory_space<hbm>>
      %dma_start3A_102 = arith.constant 0 : i32
      %dma_start3A_103 = tpu.memref_slice %arg5[%add3A_75, %dma_start3A_102] : memref<196608x128xi32, #tpu.memory_space<hbm>> -> memref<384x64xi32, #tpu.memory_space<hbm>>
      tpu.enqueue_dma source(%arg10 : memref<384x64xi32, #tpu.memory_space<vmem>>) target(%dma_start3A_103 : memref<384x64xi32, #tpu.memory_space<hbm>>) target_semaphore(%arg16 : memref<!tpu.dma_semaphore, #tpu.memory_space<semaphore_mem>>)
      %dma_start3A_104 = arith.constant 64 : i32
      %dma_start3A_105 = tpu.memref_slice %arg5[%add3A_75, %dma_start3A_104] : memref<196608x128xi32, #tpu.memory_space<hbm>> -> memref<384x64xi32, #tpu.memory_space<hbm>>
      %dma_start3A_106 = arith.constant 64 : i32
      %dma_start3A_107 = tpu.memref_slice %arg5[%add3A_75, %dma_start3A_106] : memref<196608x128xi32, #tpu.memory_space<hbm>> -> memref<384x64xi32, #tpu.memory_space<hbm>>
      tpu.enqueue_dma source(%arg12 : memref<384x64xi32, #tpu.memory_space<vmem>>) target(%dma_start3A_107 : memref<384x64xi32, #tpu.memory_space<hbm>>) target_semaphore(%arg16 : memref<!tpu.dma_semaphore, #tpu.memory_space<semaphore_mem>>)
      %add3A_108 = arith.constant 384 : i32
      %add3A_109 = arith.addi %add3A_75, %add3A_108 : i32
      "tpu.region"() ({
        %run_scoped3A = tpu.sem_alloc : memref<!tpu.dma_semaphore, #tpu.memory_space<semaphore_mem>>
        %dma_start3A_142 = tpu.memref_slice %arg3[%add3A_109] : memref<196608xi32, #tpu.memory_space<hbm>> -> memref<384xi32, #tpu.memory_space<hbm>>
        %dma_start3A_143 = tpu.memref_slice %arg3[%add3A_109] : memref<196608xi32, #tpu.memory_space<hbm>> -> memref<384xi32, #tpu.memory_space<hbm>>
        tpu.enqueue_dma source(%dma_start3A_143 : memref<384xi32, #tpu.memory_space<hbm>>) target(%arg7 : memref<384xi32, #tpu.memory_space<vmem>>) target_semaphore(%run_scoped3A : memref<!tpu.dma_semaphore, #tpu.memory_space<semaphore_mem>>)
        %dma_wait3A_144 = tpu.memref_slice %arg3[%add3A_109] : memref<196608xi32, #tpu.memory_space<hbm>> -> memref<384xi32, #tpu.memory_space<hbm>>
        %dma_wait3A_145 = tpu.memref_slice %arg3[%add3A_109] : memref<196608xi32, #tpu.memory_space<hbm>> -> memref<384xi32, #tpu.memory_space<hbm>>
        tpu.wait_dma2 semaphore(%run_scoped3A : memref<!tpu.dma_semaphore, #tpu.memory_space<semaphore_mem>>) src(%dma_wait3A_145 : memref<384xi32, #tpu.memory_space<hbm>>) dst(%arg7 : memref<384xi32, #tpu.memory_space<vmem>>)
        tpu.yield
      }) : () -> ()
      "tpu.region"() ({
        %run_scoped3A = tpu.sem_alloc : memref<!tpu.dma_semaphore, #tpu.memory_space<semaphore_mem>>
        %dma_start3A_142 = tpu.memref_slice %arg4[%add3A_109] : memref<196608xi32, #tpu.memory_space<hbm>> -> memref<384xi32, #tpu.memory_space<hbm>>
        %dma_start3A_143 = tpu.memref_slice %arg4[%add3A_109] : memref<196608xi32, #tpu.memory_space<hbm>> -> memref<384xi32, #tpu.memory_space<hbm>>
        tpu.enqueue_dma source(%dma_start3A_143 : memref<384xi32, #tpu.memory_space<hbm>>) target(%arg9 : memref<384xi32, #tpu.memory_space<vmem>>) target_semaphore(%run_scoped3A : memref<!tpu.dma_semaphore, #tpu.memory_space<semaphore_mem>>)
        %dma_wait3A_144 = tpu.memref_slice %arg4[%add3A_109] : memref<196608xi32, #tpu.memory_space<hbm>> -> memref<384xi32, #tpu.memory_space<hbm>>
        %dma_wait3A_145 = tpu.memref_slice %arg4[%add3A_109] : memref<196608xi32, #tpu.memory_space<hbm>> -> memref<384xi32, #tpu.memory_space<hbm>>
        tpu.wait_dma2 semaphore(%run_scoped3A : memref<!tpu.dma_semaphore, #tpu.memory_space<semaphore_mem>>) src(%dma_wait3A_145 : memref<384xi32, #tpu.memory_space<hbm>>) dst(%arg9 : memref<384xi32, #tpu.memory_space<vmem>>)
        tpu.yield
      }) : () -> ()
      %dma_wait3A_110 = arith.constant 0 : i32
      %dma_wait3A_111 = arith.constant 0 : i32
      %dma_wait3A_112 = tpu.memref_slice %arg5[%dma_wait3A_110, %dma_wait3A_111] : memref<196608x128xi32, #tpu.memory_space<hbm>> -> memref<384x64xi32, #tpu.memory_space<hbm>>
      %dma_wait3A_113 = arith.constant 0 : i32
      %dma_wait3A_114 = arith.constant 0 : i32
      %dma_wait3A_115 = tpu.memref_slice %arg5[%dma_wait3A_113, %dma_wait3A_114] : memref<196608x128xi32, #tpu.memory_space<hbm>> -> memref<384x64xi32, #tpu.memory_space<hbm>>
      tpu.wait_dma2 semaphore(%arg17 : memref<!tpu.dma_semaphore, #tpu.memory_space<semaphore_mem>>) src(%arg11 : memref<384x64xi32, #tpu.memory_space<vmem>>) dst(%dma_wait3A_115 : memref<384x64xi32, #tpu.memory_space<hbm>>)
      %dma_wait3A_116 = arith.constant 0 : i32
      %dma_wait3A_117 = arith.constant 0 : i32
      %dma_wait3A_118 = tpu.memref_slice %arg5[%dma_wait3A_116, %dma_wait3A_117] : memref<196608x128xi32, #tpu.memory_space<hbm>> -> memref<384x64xi32, #tpu.memory_space<hbm>>
      %dma_wait3A_119 = arith.constant 0 : i32
      %dma_wait3A_120 = arith.constant 0 : i32
      %dma_wait3A_121 = tpu.memref_slice %arg5[%dma_wait3A_119, %dma_wait3A_120] : memref<196608x128xi32, #tpu.memory_space<hbm>> -> memref<384x64xi32, #tpu.memory_space<hbm>>
      tpu.wait_dma2 semaphore(%arg17 : memref<!tpu.dma_semaphore, #tpu.memory_space<semaphore_mem>>) src(%arg13 : memref<384x64xi32, #tpu.memory_space<vmem>>) dst(%dma_wait3A_121 : memref<384x64xi32, #tpu.memory_space<hbm>>)
      %dma_start3A_122 = arith.constant 0 : i32
      %dma_start3A_123 = arith.constant 0 : i32
      %dma_start3A_124 = tpu.memref_slice %arg2[%dma_start3A_122, %dma_start3A_123] : memref<100000x64xi32, #tpu.memory_space<hbm>> -> memref<100000x64xi32, #tpu.memory_space<hbm>>
      tpu.enqueue_indirect_dma source(%dma_start3A_124 : memref<100000x64xi32, #tpu.memory_space<hbm>>) target(%arg11 : memref<384x64xi32, #tpu.memory_space<vmem>>) offsets(%arg7 : memref<384xi32, #tpu.memory_space<vmem>>) semaphore(%arg14 : memref<!tpu.dma_semaphore, #tpu.memory_space<semaphore_mem>>)
      %dma_start3A_125 = arith.constant 0 : i32
      %dma_start3A_126 = arith.constant 0 : i32
      %dma_start3A_127 = tpu.memref_slice %arg2[%dma_start3A_125, %dma_start3A_126] : memref<100000x64xi32, #tpu.memory_space<hbm>> -> memref<100000x64xi32, #tpu.memory_space<hbm>>
      tpu.enqueue_indirect_dma source(%dma_start3A_127 : memref<100000x64xi32, #tpu.memory_space<hbm>>) target(%arg13 : memref<384x64xi32, #tpu.memory_space<vmem>>) offsets(%arg9 : memref<384xi32, #tpu.memory_space<vmem>>) semaphore(%arg15 : memref<!tpu.dma_semaphore, #tpu.memory_space<semaphore_mem>>)
      %dma_wait3A_128 = arith.constant 0 : i32
      %dma_wait3A_129 = arith.constant 0 : i32
      %dma_wait3A_130 = tpu.memref_slice %arg2[%dma_wait3A_128, %dma_wait3A_129] : memref<100000x64xi32, #tpu.memory_space<hbm>> -> memref<100000x64xi32, #tpu.memory_space<hbm>>
      tpu.wait_indirect_dma semaphore(%arg14 : memref<!tpu.dma_semaphore, #tpu.memory_space<semaphore_mem>>) src(%dma_wait3A_130 : memref<100000x64xi32, #tpu.memory_space<hbm>>) dst(%arg11 : memref<384x64xi32, #tpu.memory_space<vmem>>)
      %dma_wait3A_131 = arith.constant 0 : i32
      %dma_wait3A_132 = arith.constant 0 : i32
      %dma_wait3A_133 = tpu.memref_slice %arg2[%dma_wait3A_131, %dma_wait3A_132] : memref<100000x64xi32, #tpu.memory_space<hbm>> -> memref<100000x64xi32, #tpu.memory_space<hbm>>
      tpu.wait_indirect_dma semaphore(%arg15 : memref<!tpu.dma_semaphore, #tpu.memory_space<semaphore_mem>>) src(%dma_wait3A_133 : memref<100000x64xi32, #tpu.memory_space<hbm>>) dst(%arg13 : memref<384x64xi32, #tpu.memory_space<vmem>>)
      %dma_start3A_134 = arith.constant 0 : i32
      %dma_start3A_135 = tpu.memref_slice %arg5[%add3A_109, %dma_start3A_134] : memref<196608x128xi32, #tpu.memory_space<hbm>> -> memref<384x64xi32, #tpu.memory_space<hbm>>
      %dma_start3A_136 = arith.constant 0 : i32
      %dma_start3A_137 = tpu.memref_slice %arg5[%add3A_109, %dma_start3A_136] : memref<196608x128xi32, #tpu.memory_space<hbm>> -> memref<384x64xi32, #tpu.memory_space<hbm>>
      tpu.enqueue_dma source(%arg11 : memref<384x64xi32, #tpu.memory_space<vmem>>) target(%dma_start3A_137 : memref<384x64xi32, #tpu.memory_space<hbm>>) target_semaphore(%arg17 : memref<!tpu.dma_semaphore, #tpu.memory_space<semaphore_mem>>)
      %dma_start3A_138 = arith.constant 64 : i32
      %dma_start3A_139 = tpu.memref_slice %arg5[%add3A_109, %dma_start3A_138] : memref<196608x128xi32, #tpu.memory_space<hbm>> -> memref<384x64xi32, #tpu.memory_space<hbm>>
      %dma_start3A_140 = arith.constant 64 : i32
      %dma_start3A_141 = tpu.memref_slice %arg5[%add3A_109, %dma_start3A_140] : memref<196608x128xi32, #tpu.memory_space<hbm>> -> memref<384x64xi32, #tpu.memory_space<hbm>>
      tpu.enqueue_dma source(%arg13 : memref<384x64xi32, #tpu.memory_space<vmem>>) target(%dma_start3A_141 : memref<384x64xi32, #tpu.memory_space<hbm>>) target_semaphore(%arg17 : memref<!tpu.dma_semaphore, #tpu.memory_space<semaphore_mem>>)
    }
    %scan3A_47 = arith.constant 7 : i32
    %dma_wait3A_48 = arith.constant 0 : i32
    %dma_wait3A_49 = arith.constant 0 : i32
    %dma_wait3A_50 = tpu.memref_slice %arg5[%dma_wait3A_48, %dma_wait3A_49] : memref<196608x128xi32, #tpu.memory_space<hbm>> -> memref<384x64xi32, #tpu.memory_space<hbm>>
    %dma_wait3A_51 = arith.constant 0 : i32
    %dma_wait3A_52 = arith.constant 0 : i32
    %dma_wait3A_53 = tpu.memref_slice %arg5[%dma_wait3A_51, %dma_wait3A_52] : memref<196608x128xi32, #tpu.memory_space<hbm>> -> memref<384x64xi32, #tpu.memory_space<hbm>>
    tpu.wait_dma2 semaphore(%arg16 : memref<!tpu.dma_semaphore, #tpu.memory_space<semaphore_mem>>) src(%arg10 : memref<384x64xi32, #tpu.memory_space<vmem>>) dst(%dma_wait3A_53 : memref<384x64xi32, #tpu.memory_space<hbm>>)
    %dma_wait3A_54 = arith.constant 0 : i32
    %dma_wait3A_55 = arith.constant 0 : i32
    %dma_wait3A_56 = tpu.memref_slice %arg5[%dma_wait3A_54, %dma_wait3A_55] : memref<196608x128xi32, #tpu.memory_space<hbm>> -> memref<384x64xi32, #tpu.memory_space<hbm>>
    %dma_wait3A_57 = arith.constant 0 : i32
    %dma_wait3A_58 = arith.constant 0 : i32
    %dma_wait3A_59 = tpu.memref_slice %arg5[%dma_wait3A_57, %dma_wait3A_58] : memref<196608x128xi32, #tpu.memory_space<hbm>> -> memref<384x64xi32, #tpu.memory_space<hbm>>
    tpu.wait_dma2 semaphore(%arg16 : memref<!tpu.dma_semaphore, #tpu.memory_space<semaphore_mem>>) src(%arg12 : memref<384x64xi32, #tpu.memory_space<vmem>>) dst(%dma_wait3A_59 : memref<384x64xi32, #tpu.memory_space<hbm>>)
    %dma_wait3A_60 = arith.constant 0 : i32
    %dma_wait3A_61 = arith.constant 0 : i32
    %dma_wait3A_62 = tpu.memref_slice %arg5[%dma_wait3A_60, %dma_wait3A_61] : memref<196608x128xi32, #tpu.memory_space<hbm>> -> memref<384x64xi32, #tpu.memory_space<hbm>>
    %dma_wait3A_63 = arith.constant 0 : i32
    %dma_wait3A_64 = arith.constant 0 : i32
    %dma_wait3A_65 = tpu.memref_slice %arg5[%dma_wait3A_63, %dma_wait3A_64] : memref<196608x128xi32, #tpu.memory_space<hbm>> -> memref<384x64xi32, #tpu.memory_space<hbm>>
    tpu.wait_dma2 semaphore(%arg17 : memref<!tpu.dma_semaphore, #tpu.memory_space<semaphore_mem>>) src(%arg11 : memref<384x64xi32, #tpu.memory_space<vmem>>) dst(%dma_wait3A_65 : memref<384x64xi32, #tpu.memory_space<hbm>>)
    %dma_wait3A_66 = arith.constant 0 : i32
    %dma_wait3A_67 = arith.constant 0 : i32
    %dma_wait3A_68 = tpu.memref_slice %arg5[%dma_wait3A_66, %dma_wait3A_67] : memref<196608x128xi32, #tpu.memory_space<hbm>> -> memref<384x64xi32, #tpu.memory_space<hbm>>
    %dma_wait3A_69 = arith.constant 0 : i32
    %dma_wait3A_70 = arith.constant 0 : i32
    %dma_wait3A_71 = tpu.memref_slice %arg5[%dma_wait3A_69, %dma_wait3A_70] : memref<196608x128xi32, #tpu.memory_space<hbm>> -> memref<384x64xi32, #tpu.memory_space<hbm>>
    tpu.wait_dma2 semaphore(%arg17 : memref<!tpu.dma_semaphore, #tpu.memory_space<semaphore_mem>>) src(%arg13 : memref<384x64xi32, #tpu.memory_space<vmem>>) dst(%dma_wait3A_71 : memref<384x64xi32, #tpu.memory_space<hbm>>)
    return
  }
}

#map = affine_map<(d0, d1) -> (0, 0)>
#map1 = affine_map<(d0, d1) -> (0)>
module attributes {stable_mosaic.version = 14 : i64} {
  func.func @gather_k(%arg0: i32, %arg1: i32, %arg2: memref<100000x64xi32, #tpu.memory_space<hbm>>, %arg3: memref<131072xi32, #tpu.memory_space<hbm>>, %arg4: memref<131072xi32, #tpu.memory_space<hbm>>, %arg5: memref<131072x128xi32, #tpu.memory_space<hbm>>, %arg6: memref<256xi32, #tpu.memory_space<vmem>>, %arg7: memref<256xi32, #tpu.memory_space<vmem>>, %arg8: memref<256xi32, #tpu.memory_space<vmem>>, %arg9: memref<256xi32, #tpu.memory_space<vmem>>, %arg10: memref<256x64xi32, #tpu.memory_space<vmem>>, %arg11: memref<256x64xi32, #tpu.memory_space<vmem>>, %arg12: memref<256x64xi32, #tpu.memory_space<vmem>>, %arg13: memref<256x64xi32, #tpu.memory_space<vmem>>, %arg14: memref<!tpu.dma_semaphore, #tpu.memory_space<semaphore_mem>>, %arg15: memref<!tpu.dma_semaphore, #tpu.memory_space<semaphore_mem>>, %arg16: memref<!tpu.dma_semaphore, #tpu.memory_space<semaphore_mem>>, %arg17: memref<!tpu.dma_semaphore, #tpu.memory_space<semaphore_mem>>) attributes {dimension_semantics = [#tpu.dimension_semantics<core_parallel>, #tpu.dimension_semantics<subcore_parallel>], iteration_bounds = array<i64: 2, 16>, scalar_prefetch = 0 : i64, scratch_operands = 12 : i64, tpu.core_type = #tpu.core_type<sc_vector_subcore>, window_params = [{transform_indices = #map}, {transform_indices = #map1}, {transform_indices = #map1}, {transform_indices = #map}]} {
    %mul3A = arith.constant 2 : i32
    %mul3A_0 = arith.muli %arg1, %mul3A : i32
    %add3A = arith.addi %mul3A_0, %arg0 : i32
    %mul3A_1 = arith.constant 4096 : i32
    %mul3A_2 = arith.muli %add3A, %mul3A_1 : i32
    "tpu.region"() ({
      %run_scoped3A = tpu.sem_alloc : memref<!tpu.dma_semaphore, #tpu.memory_space<semaphore_mem>>
      %dma_start3A_72 = tpu.memref_slice %arg3[%mul3A_2] : memref<131072xi32, #tpu.memory_space<hbm>> -> memref<256xi32, #tpu.memory_space<hbm>>
      %dma_start3A_73 = tpu.memref_slice %arg3[%mul3A_2] : memref<131072xi32, #tpu.memory_space<hbm>> -> memref<256xi32, #tpu.memory_space<hbm>>
      tpu.enqueue_dma source(%dma_start3A_73 : memref<256xi32, #tpu.memory_space<hbm>>) target(%arg6 : memref<256xi32, #tpu.memory_space<vmem>>) target_semaphore(%run_scoped3A : memref<!tpu.dma_semaphore, #tpu.memory_space<semaphore_mem>>)
      %dma_wait3A_74 = tpu.memref_slice %arg3[%mul3A_2] : memref<131072xi32, #tpu.memory_space<hbm>> -> memref<256xi32, #tpu.memory_space<hbm>>
      %dma_wait3A_75 = tpu.memref_slice %arg3[%mul3A_2] : memref<131072xi32, #tpu.memory_space<hbm>> -> memref<256xi32, #tpu.memory_space<hbm>>
      tpu.wait_dma2 semaphore(%run_scoped3A : memref<!tpu.dma_semaphore, #tpu.memory_space<semaphore_mem>>) src(%dma_wait3A_75 : memref<256xi32, #tpu.memory_space<hbm>>) dst(%arg6 : memref<256xi32, #tpu.memory_space<vmem>>)
      tpu.yield
    }) : () -> ()
    "tpu.region"() ({
      %run_scoped3A = tpu.sem_alloc : memref<!tpu.dma_semaphore, #tpu.memory_space<semaphore_mem>>
      %dma_start3A_72 = tpu.memref_slice %arg4[%mul3A_2] : memref<131072xi32, #tpu.memory_space<hbm>> -> memref<256xi32, #tpu.memory_space<hbm>>
      %dma_start3A_73 = tpu.memref_slice %arg4[%mul3A_2] : memref<131072xi32, #tpu.memory_space<hbm>> -> memref<256xi32, #tpu.memory_space<hbm>>
      tpu.enqueue_dma source(%dma_start3A_73 : memref<256xi32, #tpu.memory_space<hbm>>) target(%arg8 : memref<256xi32, #tpu.memory_space<vmem>>) target_semaphore(%run_scoped3A : memref<!tpu.dma_semaphore, #tpu.memory_space<semaphore_mem>>)
      %dma_wait3A_74 = tpu.memref_slice %arg4[%mul3A_2] : memref<131072xi32, #tpu.memory_space<hbm>> -> memref<256xi32, #tpu.memory_space<hbm>>
      %dma_wait3A_75 = tpu.memref_slice %arg4[%mul3A_2] : memref<131072xi32, #tpu.memory_space<hbm>> -> memref<256xi32, #tpu.memory_space<hbm>>
      tpu.wait_dma2 semaphore(%run_scoped3A : memref<!tpu.dma_semaphore, #tpu.memory_space<semaphore_mem>>) src(%dma_wait3A_75 : memref<256xi32, #tpu.memory_space<hbm>>) dst(%arg8 : memref<256xi32, #tpu.memory_space<vmem>>)
      tpu.yield
    }) : () -> ()
    %dma_start3A = arith.constant 0 : i32
    %dma_start3A_3 = arith.constant 0 : i32
    %dma_start3A_4 = tpu.memref_slice %arg2[%dma_start3A, %dma_start3A_3] : memref<100000x64xi32, #tpu.memory_space<hbm>> -> memref<100000x64xi32, #tpu.memory_space<hbm>>
    tpu.enqueue_indirect_dma source(%dma_start3A_4 : memref<100000x64xi32, #tpu.memory_space<hbm>>) target(%arg10 : memref<256x64xi32, #tpu.memory_space<vmem>>) offsets(%arg6 : memref<256xi32, #tpu.memory_space<vmem>>) semaphore(%arg14 : memref<!tpu.dma_semaphore, #tpu.memory_space<semaphore_mem>>)
    %dma_start3A_5 = arith.constant 0 : i32
    %dma_start3A_6 = arith.constant 0 : i32
    %dma_start3A_7 = tpu.memref_slice %arg2[%dma_start3A_5, %dma_start3A_6] : memref<100000x64xi32, #tpu.memory_space<hbm>> -> memref<100000x64xi32, #tpu.memory_space<hbm>>
    tpu.enqueue_indirect_dma source(%dma_start3A_7 : memref<100000x64xi32, #tpu.memory_space<hbm>>) target(%arg12 : memref<256x64xi32, #tpu.memory_space<vmem>>) offsets(%arg8 : memref<256xi32, #tpu.memory_space<vmem>>) semaphore(%arg15 : memref<!tpu.dma_semaphore, #tpu.memory_space<semaphore_mem>>)
    %dma_wait3A = arith.constant 0 : i32
    %dma_wait3A_8 = arith.constant 0 : i32
    %dma_wait3A_9 = tpu.memref_slice %arg2[%dma_wait3A, %dma_wait3A_8] : memref<100000x64xi32, #tpu.memory_space<hbm>> -> memref<100000x64xi32, #tpu.memory_space<hbm>>
    tpu.wait_indirect_dma semaphore(%arg14 : memref<!tpu.dma_semaphore, #tpu.memory_space<semaphore_mem>>) src(%dma_wait3A_9 : memref<100000x64xi32, #tpu.memory_space<hbm>>) dst(%arg10 : memref<256x64xi32, #tpu.memory_space<vmem>>)
    %dma_wait3A_10 = arith.constant 0 : i32
    %dma_wait3A_11 = arith.constant 0 : i32
    %dma_wait3A_12 = tpu.memref_slice %arg2[%dma_wait3A_10, %dma_wait3A_11] : memref<100000x64xi32, #tpu.memory_space<hbm>> -> memref<100000x64xi32, #tpu.memory_space<hbm>>
    tpu.wait_indirect_dma semaphore(%arg15 : memref<!tpu.dma_semaphore, #tpu.memory_space<semaphore_mem>>) src(%dma_wait3A_12 : memref<100000x64xi32, #tpu.memory_space<hbm>>) dst(%arg12 : memref<256x64xi32, #tpu.memory_space<vmem>>)
    %dma_start3A_13 = arith.constant 0 : i32
    %dma_start3A_14 = tpu.memref_slice %arg5[%mul3A_2, %dma_start3A_13] : memref<131072x128xi32, #tpu.memory_space<hbm>> -> memref<256x64xi32, #tpu.memory_space<hbm>>
    %dma_start3A_15 = arith.constant 0 : i32
    %dma_start3A_16 = tpu.memref_slice %arg5[%mul3A_2, %dma_start3A_15] : memref<131072x128xi32, #tpu.memory_space<hbm>> -> memref<256x64xi32, #tpu.memory_space<hbm>>
    tpu.enqueue_dma source(%arg10 : memref<256x64xi32, #tpu.memory_space<vmem>>) target(%dma_start3A_16 : memref<256x64xi32, #tpu.memory_space<hbm>>) target_semaphore(%arg16 : memref<!tpu.dma_semaphore, #tpu.memory_space<semaphore_mem>>)
    %dma_start3A_17 = arith.constant 64 : i32
    %dma_start3A_18 = tpu.memref_slice %arg5[%mul3A_2, %dma_start3A_17] : memref<131072x128xi32, #tpu.memory_space<hbm>> -> memref<256x64xi32, #tpu.memory_space<hbm>>
    %dma_start3A_19 = arith.constant 64 : i32
    %dma_start3A_20 = tpu.memref_slice %arg5[%mul3A_2, %dma_start3A_19] : memref<131072x128xi32, #tpu.memory_space<hbm>> -> memref<256x64xi32, #tpu.memory_space<hbm>>
    tpu.enqueue_dma source(%arg12 : memref<256x64xi32, #tpu.memory_space<vmem>>) target(%dma_start3A_20 : memref<256x64xi32, #tpu.memory_space<hbm>>) target_semaphore(%arg16 : memref<!tpu.dma_semaphore, #tpu.memory_space<semaphore_mem>>)
    %add3A_21 = arith.constant 256 : i32
    %add3A_22 = arith.addi %mul3A_2, %add3A_21 : i32
    "tpu.region"() ({
      %run_scoped3A = tpu.sem_alloc : memref<!tpu.dma_semaphore, #tpu.memory_space<semaphore_mem>>
      %dma_start3A_72 = tpu.memref_slice %arg3[%add3A_22] : memref<131072xi32, #tpu.memory_space<hbm>> -> memref<256xi32, #tpu.memory_space<hbm>>
      %dma_start3A_73 = tpu.memref_slice %arg3[%add3A_22] : memref<131072xi32, #tpu.memory_space<hbm>> -> memref<256xi32, #tpu.memory_space<hbm>>
      tpu.enqueue_dma source(%dma_start3A_73 : memref<256xi32, #tpu.memory_space<hbm>>) target(%arg7 : memref<256xi32, #tpu.memory_space<vmem>>) target_semaphore(%run_scoped3A : memref<!tpu.dma_semaphore, #tpu.memory_space<semaphore_mem>>)
      %dma_wait3A_74 = tpu.memref_slice %arg3[%add3A_22] : memref<131072xi32, #tpu.memory_space<hbm>> -> memref<256xi32, #tpu.memory_space<hbm>>
      %dma_wait3A_75 = tpu.memref_slice %arg3[%add3A_22] : memref<131072xi32, #tpu.memory_space<hbm>> -> memref<256xi32, #tpu.memory_space<hbm>>
      tpu.wait_dma2 semaphore(%run_scoped3A : memref<!tpu.dma_semaphore, #tpu.memory_space<semaphore_mem>>) src(%dma_wait3A_75 : memref<256xi32, #tpu.memory_space<hbm>>) dst(%arg7 : memref<256xi32, #tpu.memory_space<vmem>>)
      tpu.yield
    }) : () -> ()
    "tpu.region"() ({
      %run_scoped3A = tpu.sem_alloc : memref<!tpu.dma_semaphore, #tpu.memory_space<semaphore_mem>>
      %dma_start3A_72 = tpu.memref_slice %arg4[%add3A_22] : memref<131072xi32, #tpu.memory_space<hbm>> -> memref<256xi32, #tpu.memory_space<hbm>>
      %dma_start3A_73 = tpu.memref_slice %arg4[%add3A_22] : memref<131072xi32, #tpu.memory_space<hbm>> -> memref<256xi32, #tpu.memory_space<hbm>>
      tpu.enqueue_dma source(%dma_start3A_73 : memref<256xi32, #tpu.memory_space<hbm>>) target(%arg9 : memref<256xi32, #tpu.memory_space<vmem>>) target_semaphore(%run_scoped3A : memref<!tpu.dma_semaphore, #tpu.memory_space<semaphore_mem>>)
      %dma_wait3A_74 = tpu.memref_slice %arg4[%add3A_22] : memref<131072xi32, #tpu.memory_space<hbm>> -> memref<256xi32, #tpu.memory_space<hbm>>
      %dma_wait3A_75 = tpu.memref_slice %arg4[%add3A_22] : memref<131072xi32, #tpu.memory_space<hbm>> -> memref<256xi32, #tpu.memory_space<hbm>>
      tpu.wait_dma2 semaphore(%run_scoped3A : memref<!tpu.dma_semaphore, #tpu.memory_space<semaphore_mem>>) src(%dma_wait3A_75 : memref<256xi32, #tpu.memory_space<hbm>>) dst(%arg9 : memref<256xi32, #tpu.memory_space<vmem>>)
      tpu.yield
    }) : () -> ()
    %dma_start3A_23 = arith.constant 0 : i32
    %dma_start3A_24 = arith.constant 0 : i32
    %dma_start3A_25 = tpu.memref_slice %arg2[%dma_start3A_23, %dma_start3A_24] : memref<100000x64xi32, #tpu.memory_space<hbm>> -> memref<100000x64xi32, #tpu.memory_space<hbm>>
    tpu.enqueue_indirect_dma source(%dma_start3A_25 : memref<100000x64xi32, #tpu.memory_space<hbm>>) target(%arg11 : memref<256x64xi32, #tpu.memory_space<vmem>>) offsets(%arg7 : memref<256xi32, #tpu.memory_space<vmem>>) semaphore(%arg14 : memref<!tpu.dma_semaphore, #tpu.memory_space<semaphore_mem>>)
    %dma_start3A_26 = arith.constant 0 : i32
    %dma_start3A_27 = arith.constant 0 : i32
    %dma_start3A_28 = tpu.memref_slice %arg2[%dma_start3A_26, %dma_start3A_27] : memref<100000x64xi32, #tpu.memory_space<hbm>> -> memref<100000x64xi32, #tpu.memory_space<hbm>>
    tpu.enqueue_indirect_dma source(%dma_start3A_28 : memref<100000x64xi32, #tpu.memory_space<hbm>>) target(%arg13 : memref<256x64xi32, #tpu.memory_space<vmem>>) offsets(%arg9 : memref<256xi32, #tpu.memory_space<vmem>>) semaphore(%arg15 : memref<!tpu.dma_semaphore, #tpu.memory_space<semaphore_mem>>)
    %dma_wait3A_29 = arith.constant 0 : i32
    %dma_wait3A_30 = arith.constant 0 : i32
    %dma_wait3A_31 = tpu.memref_slice %arg2[%dma_wait3A_29, %dma_wait3A_30] : memref<100000x64xi32, #tpu.memory_space<hbm>> -> memref<100000x64xi32, #tpu.memory_space<hbm>>
    tpu.wait_indirect_dma semaphore(%arg14 : memref<!tpu.dma_semaphore, #tpu.memory_space<semaphore_mem>>) src(%dma_wait3A_31 : memref<100000x64xi32, #tpu.memory_space<hbm>>) dst(%arg11 : memref<256x64xi32, #tpu.memory_space<vmem>>)
    %dma_wait3A_32 = arith.constant 0 : i32
    %dma_wait3A_33 = arith.constant 0 : i32
    %dma_wait3A_34 = tpu.memref_slice %arg2[%dma_wait3A_32, %dma_wait3A_33] : memref<100000x64xi32, #tpu.memory_space<hbm>> -> memref<100000x64xi32, #tpu.memory_space<hbm>>
    tpu.wait_indirect_dma semaphore(%arg15 : memref<!tpu.dma_semaphore, #tpu.memory_space<semaphore_mem>>) src(%dma_wait3A_34 : memref<100000x64xi32, #tpu.memory_space<hbm>>) dst(%arg13 : memref<256x64xi32, #tpu.memory_space<vmem>>)
    %dma_start3A_35 = arith.constant 0 : i32
    %dma_start3A_36 = tpu.memref_slice %arg5[%add3A_22, %dma_start3A_35] : memref<131072x128xi32, #tpu.memory_space<hbm>> -> memref<256x64xi32, #tpu.memory_space<hbm>>
    %dma_start3A_37 = arith.constant 0 : i32
    %dma_start3A_38 = tpu.memref_slice %arg5[%add3A_22, %dma_start3A_37] : memref<131072x128xi32, #tpu.memory_space<hbm>> -> memref<256x64xi32, #tpu.memory_space<hbm>>
    tpu.enqueue_dma source(%arg11 : memref<256x64xi32, #tpu.memory_space<vmem>>) target(%dma_start3A_38 : memref<256x64xi32, #tpu.memory_space<hbm>>) target_semaphore(%arg17 : memref<!tpu.dma_semaphore, #tpu.memory_space<semaphore_mem>>)
    %dma_start3A_39 = arith.constant 64 : i32
    %dma_start3A_40 = tpu.memref_slice %arg5[%add3A_22, %dma_start3A_39] : memref<131072x128xi32, #tpu.memory_space<hbm>> -> memref<256x64xi32, #tpu.memory_space<hbm>>
    %dma_start3A_41 = arith.constant 64 : i32
    %dma_start3A_42 = tpu.memref_slice %arg5[%add3A_22, %dma_start3A_41] : memref<131072x128xi32, #tpu.memory_space<hbm>> -> memref<256x64xi32, #tpu.memory_space<hbm>>
    tpu.enqueue_dma source(%arg13 : memref<256x64xi32, #tpu.memory_space<vmem>>) target(%dma_start3A_42 : memref<256x64xi32, #tpu.memory_space<hbm>>) target_semaphore(%arg17 : memref<!tpu.dma_semaphore, #tpu.memory_space<semaphore_mem>>)
    %scan3A = arith.constant 0 : i32
    %scan3A_43 = arith.constant 1 : i32
    %scan3A_44 = arith.constant 7 : i32
    %scan3A_45 = arith.addi %scan3A_43, %scan3A_44 : i32
    %scan3A_46 = arith.constant 1 : i32
    scf.for %scan3A_72 = %scan3A_43 to %scan3A_45 step %scan3A_46  : i32 {
      %mul3A_73 = arith.constant 512 : i32
      %mul3A_74 = arith.muli %scan3A_72, %mul3A_73 : i32
      %add3A_75 = arith.addi %mul3A_2, %mul3A_74 : i32
      "tpu.region"() ({
        %run_scoped3A = tpu.sem_alloc : memref<!tpu.dma_semaphore, #tpu.memory_space<semaphore_mem>>
        %dma_start3A_142 = tpu.memref_slice %arg3[%add3A_75] : memref<131072xi32, #tpu.memory_space<hbm>> -> memref<256xi32, #tpu.memory_space<hbm>>
        %dma_start3A_143 = tpu.memref_slice %arg3[%add3A_75] : memref<131072xi32, #tpu.memory_space<hbm>> -> memref<256xi32, #tpu.memory_space<hbm>>
        tpu.enqueue_dma source(%dma_start3A_143 : memref<256xi32, #tpu.memory_space<hbm>>) target(%arg6 : memref<256xi32, #tpu.memory_space<vmem>>) target_semaphore(%run_scoped3A : memref<!tpu.dma_semaphore, #tpu.memory_space<semaphore_mem>>)
        %dma_wait3A_144 = tpu.memref_slice %arg3[%add3A_75] : memref<131072xi32, #tpu.memory_space<hbm>> -> memref<256xi32, #tpu.memory_space<hbm>>
        %dma_wait3A_145 = tpu.memref_slice %arg3[%add3A_75] : memref<131072xi32, #tpu.memory_space<hbm>> -> memref<256xi32, #tpu.memory_space<hbm>>
        tpu.wait_dma2 semaphore(%run_scoped3A : memref<!tpu.dma_semaphore, #tpu.memory_space<semaphore_mem>>) src(%dma_wait3A_145 : memref<256xi32, #tpu.memory_space<hbm>>) dst(%arg6 : memref<256xi32, #tpu.memory_space<vmem>>)
        tpu.yield
      }) : () -> ()
      "tpu.region"() ({
        %run_scoped3A = tpu.sem_alloc : memref<!tpu.dma_semaphore, #tpu.memory_space<semaphore_mem>>
        %dma_start3A_142 = tpu.memref_slice %arg4[%add3A_75] : memref<131072xi32, #tpu.memory_space<hbm>> -> memref<256xi32, #tpu.memory_space<hbm>>
        %dma_start3A_143 = tpu.memref_slice %arg4[%add3A_75] : memref<131072xi32, #tpu.memory_space<hbm>> -> memref<256xi32, #tpu.memory_space<hbm>>
        tpu.enqueue_dma source(%dma_start3A_143 : memref<256xi32, #tpu.memory_space<hbm>>) target(%arg8 : memref<256xi32, #tpu.memory_space<vmem>>) target_semaphore(%run_scoped3A : memref<!tpu.dma_semaphore, #tpu.memory_space<semaphore_mem>>)
        %dma_wait3A_144 = tpu.memref_slice %arg4[%add3A_75] : memref<131072xi32, #tpu.memory_space<hbm>> -> memref<256xi32, #tpu.memory_space<hbm>>
        %dma_wait3A_145 = tpu.memref_slice %arg4[%add3A_75] : memref<131072xi32, #tpu.memory_space<hbm>> -> memref<256xi32, #tpu.memory_space<hbm>>
        tpu.wait_dma2 semaphore(%run_scoped3A : memref<!tpu.dma_semaphore, #tpu.memory_space<semaphore_mem>>) src(%dma_wait3A_145 : memref<256xi32, #tpu.memory_space<hbm>>) dst(%arg8 : memref<256xi32, #tpu.memory_space<vmem>>)
        tpu.yield
      }) : () -> ()
      %dma_wait3A_76 = arith.constant 0 : i32
      %dma_wait3A_77 = arith.constant 0 : i32
      %dma_wait3A_78 = tpu.memref_slice %arg5[%dma_wait3A_76, %dma_wait3A_77] : memref<131072x128xi32, #tpu.memory_space<hbm>> -> memref<256x64xi32, #tpu.memory_space<hbm>>
      %dma_wait3A_79 = arith.constant 0 : i32
      %dma_wait3A_80 = arith.constant 0 : i32
      %dma_wait3A_81 = tpu.memref_slice %arg5[%dma_wait3A_79, %dma_wait3A_80] : memref<131072x128xi32, #tpu.memory_space<hbm>> -> memref<256x64xi32, #tpu.memory_space<hbm>>
      tpu.wait_dma2 semaphore(%arg16 : memref<!tpu.dma_semaphore, #tpu.memory_space<semaphore_mem>>) src(%arg10 : memref<256x64xi32, #tpu.memory_space<vmem>>) dst(%dma_wait3A_81 : memref<256x64xi32, #tpu.memory_space<hbm>>)
      %dma_wait3A_82 = arith.constant 0 : i32
      %dma_wait3A_83 = arith.constant 0 : i32
      %dma_wait3A_84 = tpu.memref_slice %arg5[%dma_wait3A_82, %dma_wait3A_83] : memref<131072x128xi32, #tpu.memory_space<hbm>> -> memref<256x64xi32, #tpu.memory_space<hbm>>
      %dma_wait3A_85 = arith.constant 0 : i32
      %dma_wait3A_86 = arith.constant 0 : i32
      %dma_wait3A_87 = tpu.memref_slice %arg5[%dma_wait3A_85, %dma_wait3A_86] : memref<131072x128xi32, #tpu.memory_space<hbm>> -> memref<256x64xi32, #tpu.memory_space<hbm>>
      tpu.wait_dma2 semaphore(%arg16 : memref<!tpu.dma_semaphore, #tpu.memory_space<semaphore_mem>>) src(%arg12 : memref<256x64xi32, #tpu.memory_space<vmem>>) dst(%dma_wait3A_87 : memref<256x64xi32, #tpu.memory_space<hbm>>)
      %dma_start3A_88 = arith.constant 0 : i32
      %dma_start3A_89 = arith.constant 0 : i32
      %dma_start3A_90 = tpu.memref_slice %arg2[%dma_start3A_88, %dma_start3A_89] : memref<100000x64xi32, #tpu.memory_space<hbm>> -> memref<100000x64xi32, #tpu.memory_space<hbm>>
      tpu.enqueue_indirect_dma source(%dma_start3A_90 : memref<100000x64xi32, #tpu.memory_space<hbm>>) target(%arg10 : memref<256x64xi32, #tpu.memory_space<vmem>>) offsets(%arg6 : memref<256xi32, #tpu.memory_space<vmem>>) semaphore(%arg14 : memref<!tpu.dma_semaphore, #tpu.memory_space<semaphore_mem>>)
      %dma_start3A_91 = arith.constant 0 : i32
      %dma_start3A_92 = arith.constant 0 : i32
      %dma_start3A_93 = tpu.memref_slice %arg2[%dma_start3A_91, %dma_start3A_92] : memref<100000x64xi32, #tpu.memory_space<hbm>> -> memref<100000x64xi32, #tpu.memory_space<hbm>>
      tpu.enqueue_indirect_dma source(%dma_start3A_93 : memref<100000x64xi32, #tpu.memory_space<hbm>>) target(%arg12 : memref<256x64xi32, #tpu.memory_space<vmem>>) offsets(%arg8 : memref<256xi32, #tpu.memory_space<vmem>>) semaphore(%arg15 : memref<!tpu.dma_semaphore, #tpu.memory_space<semaphore_mem>>)
      %dma_wait3A_94 = arith.constant 0 : i32
      %dma_wait3A_95 = arith.constant 0 : i32
      %dma_wait3A_96 = tpu.memref_slice %arg2[%dma_wait3A_94, %dma_wait3A_95] : memref<100000x64xi32, #tpu.memory_space<hbm>> -> memref<100000x64xi32, #tpu.memory_space<hbm>>
      tpu.wait_indirect_dma semaphore(%arg14 : memref<!tpu.dma_semaphore, #tpu.memory_space<semaphore_mem>>) src(%dma_wait3A_96 : memref<100000x64xi32, #tpu.memory_space<hbm>>) dst(%arg10 : memref<256x64xi32, #tpu.memory_space<vmem>>)
      %dma_wait3A_97 = arith.constant 0 : i32
      %dma_wait3A_98 = arith.constant 0 : i32
      %dma_wait3A_99 = tpu.memref_slice %arg2[%dma_wait3A_97, %dma_wait3A_98] : memref<100000x64xi32, #tpu.memory_space<hbm>> -> memref<100000x64xi32, #tpu.memory_space<hbm>>
      tpu.wait_indirect_dma semaphore(%arg15 : memref<!tpu.dma_semaphore, #tpu.memory_space<semaphore_mem>>) src(%dma_wait3A_99 : memref<100000x64xi32, #tpu.memory_space<hbm>>) dst(%arg12 : memref<256x64xi32, #tpu.memory_space<vmem>>)
      %dma_start3A_100 = arith.constant 0 : i32
      %dma_start3A_101 = tpu.memref_slice %arg5[%add3A_75, %dma_start3A_100] : memref<131072x128xi32, #tpu.memory_space<hbm>> -> memref<256x64xi32, #tpu.memory_space<hbm>>
      %dma_start3A_102 = arith.constant 0 : i32
      %dma_start3A_103 = tpu.memref_slice %arg5[%add3A_75, %dma_start3A_102] : memref<131072x128xi32, #tpu.memory_space<hbm>> -> memref<256x64xi32, #tpu.memory_space<hbm>>
      tpu.enqueue_dma source(%arg10 : memref<256x64xi32, #tpu.memory_space<vmem>>) target(%dma_start3A_103 : memref<256x64xi32, #tpu.memory_space<hbm>>) target_semaphore(%arg16 : memref<!tpu.dma_semaphore, #tpu.memory_space<semaphore_mem>>)
      %dma_start3A_104 = arith.constant 64 : i32
      %dma_start3A_105 = tpu.memref_slice %arg5[%add3A_75, %dma_start3A_104] : memref<131072x128xi32, #tpu.memory_space<hbm>> -> memref<256x64xi32, #tpu.memory_space<hbm>>
      %dma_start3A_106 = arith.constant 64 : i32
      %dma_start3A_107 = tpu.memref_slice %arg5[%add3A_75, %dma_start3A_106] : memref<131072x128xi32, #tpu.memory_space<hbm>> -> memref<256x64xi32, #tpu.memory_space<hbm>>
      tpu.enqueue_dma source(%arg12 : memref<256x64xi32, #tpu.memory_space<vmem>>) target(%dma_start3A_107 : memref<256x64xi32, #tpu.memory_space<hbm>>) target_semaphore(%arg16 : memref<!tpu.dma_semaphore, #tpu.memory_space<semaphore_mem>>)
      %add3A_108 = arith.constant 256 : i32
      %add3A_109 = arith.addi %add3A_75, %add3A_108 : i32
      "tpu.region"() ({
        %run_scoped3A = tpu.sem_alloc : memref<!tpu.dma_semaphore, #tpu.memory_space<semaphore_mem>>
        %dma_start3A_142 = tpu.memref_slice %arg3[%add3A_109] : memref<131072xi32, #tpu.memory_space<hbm>> -> memref<256xi32, #tpu.memory_space<hbm>>
        %dma_start3A_143 = tpu.memref_slice %arg3[%add3A_109] : memref<131072xi32, #tpu.memory_space<hbm>> -> memref<256xi32, #tpu.memory_space<hbm>>
        tpu.enqueue_dma source(%dma_start3A_143 : memref<256xi32, #tpu.memory_space<hbm>>) target(%arg7 : memref<256xi32, #tpu.memory_space<vmem>>) target_semaphore(%run_scoped3A : memref<!tpu.dma_semaphore, #tpu.memory_space<semaphore_mem>>)
        %dma_wait3A_144 = tpu.memref_slice %arg3[%add3A_109] : memref<131072xi32, #tpu.memory_space<hbm>> -> memref<256xi32, #tpu.memory_space<hbm>>
        %dma_wait3A_145 = tpu.memref_slice %arg3[%add3A_109] : memref<131072xi32, #tpu.memory_space<hbm>> -> memref<256xi32, #tpu.memory_space<hbm>>
        tpu.wait_dma2 semaphore(%run_scoped3A : memref<!tpu.dma_semaphore, #tpu.memory_space<semaphore_mem>>) src(%dma_wait3A_145 : memref<256xi32, #tpu.memory_space<hbm>>) dst(%arg7 : memref<256xi32, #tpu.memory_space<vmem>>)
        tpu.yield
      }) : () -> ()
      "tpu.region"() ({
        %run_scoped3A = tpu.sem_alloc : memref<!tpu.dma_semaphore, #tpu.memory_space<semaphore_mem>>
        %dma_start3A_142 = tpu.memref_slice %arg4[%add3A_109] : memref<131072xi32, #tpu.memory_space<hbm>> -> memref<256xi32, #tpu.memory_space<hbm>>
        %dma_start3A_143 = tpu.memref_slice %arg4[%add3A_109] : memref<131072xi32, #tpu.memory_space<hbm>> -> memref<256xi32, #tpu.memory_space<hbm>>
        tpu.enqueue_dma source(%dma_start3A_143 : memref<256xi32, #tpu.memory_space<hbm>>) target(%arg9 : memref<256xi32, #tpu.memory_space<vmem>>) target_semaphore(%run_scoped3A : memref<!tpu.dma_semaphore, #tpu.memory_space<semaphore_mem>>)
        %dma_wait3A_144 = tpu.memref_slice %arg4[%add3A_109] : memref<131072xi32, #tpu.memory_space<hbm>> -> memref<256xi32, #tpu.memory_space<hbm>>
        %dma_wait3A_145 = tpu.memref_slice %arg4[%add3A_109] : memref<131072xi32, #tpu.memory_space<hbm>> -> memref<256xi32, #tpu.memory_space<hbm>>
        tpu.wait_dma2 semaphore(%run_scoped3A : memref<!tpu.dma_semaphore, #tpu.memory_space<semaphore_mem>>) src(%dma_wait3A_145 : memref<256xi32, #tpu.memory_space<hbm>>) dst(%arg9 : memref<256xi32, #tpu.memory_space<vmem>>)
        tpu.yield
      }) : () -> ()
      %dma_wait3A_110 = arith.constant 0 : i32
      %dma_wait3A_111 = arith.constant 0 : i32
      %dma_wait3A_112 = tpu.memref_slice %arg5[%dma_wait3A_110, %dma_wait3A_111] : memref<131072x128xi32, #tpu.memory_space<hbm>> -> memref<256x64xi32, #tpu.memory_space<hbm>>
      %dma_wait3A_113 = arith.constant 0 : i32
      %dma_wait3A_114 = arith.constant 0 : i32
      %dma_wait3A_115 = tpu.memref_slice %arg5[%dma_wait3A_113, %dma_wait3A_114] : memref<131072x128xi32, #tpu.memory_space<hbm>> -> memref<256x64xi32, #tpu.memory_space<hbm>>
      tpu.wait_dma2 semaphore(%arg17 : memref<!tpu.dma_semaphore, #tpu.memory_space<semaphore_mem>>) src(%arg11 : memref<256x64xi32, #tpu.memory_space<vmem>>) dst(%dma_wait3A_115 : memref<256x64xi32, #tpu.memory_space<hbm>>)
      %dma_wait3A_116 = arith.constant 0 : i32
      %dma_wait3A_117 = arith.constant 0 : i32
      %dma_wait3A_118 = tpu.memref_slice %arg5[%dma_wait3A_116, %dma_wait3A_117] : memref<131072x128xi32, #tpu.memory_space<hbm>> -> memref<256x64xi32, #tpu.memory_space<hbm>>
      %dma_wait3A_119 = arith.constant 0 : i32
      %dma_wait3A_120 = arith.constant 0 : i32
      %dma_wait3A_121 = tpu.memref_slice %arg5[%dma_wait3A_119, %dma_wait3A_120] : memref<131072x128xi32, #tpu.memory_space<hbm>> -> memref<256x64xi32, #tpu.memory_space<hbm>>
      tpu.wait_dma2 semaphore(%arg17 : memref<!tpu.dma_semaphore, #tpu.memory_space<semaphore_mem>>) src(%arg13 : memref<256x64xi32, #tpu.memory_space<vmem>>) dst(%dma_wait3A_121 : memref<256x64xi32, #tpu.memory_space<hbm>>)
      %dma_start3A_122 = arith.constant 0 : i32
      %dma_start3A_123 = arith.constant 0 : i32
      %dma_start3A_124 = tpu.memref_slice %arg2[%dma_start3A_122, %dma_start3A_123] : memref<100000x64xi32, #tpu.memory_space<hbm>> -> memref<100000x64xi32, #tpu.memory_space<hbm>>
      tpu.enqueue_indirect_dma source(%dma_start3A_124 : memref<100000x64xi32, #tpu.memory_space<hbm>>) target(%arg11 : memref<256x64xi32, #tpu.memory_space<vmem>>) offsets(%arg7 : memref<256xi32, #tpu.memory_space<vmem>>) semaphore(%arg14 : memref<!tpu.dma_semaphore, #tpu.memory_space<semaphore_mem>>)
      %dma_start3A_125 = arith.constant 0 : i32
      %dma_start3A_126 = arith.constant 0 : i32
      %dma_start3A_127 = tpu.memref_slice %arg2[%dma_start3A_125, %dma_start3A_126] : memref<100000x64xi32, #tpu.memory_space<hbm>> -> memref<100000x64xi32, #tpu.memory_space<hbm>>
      tpu.enqueue_indirect_dma source(%dma_start3A_127 : memref<100000x64xi32, #tpu.memory_space<hbm>>) target(%arg13 : memref<256x64xi32, #tpu.memory_space<vmem>>) offsets(%arg9 : memref<256xi32, #tpu.memory_space<vmem>>) semaphore(%arg15 : memref<!tpu.dma_semaphore, #tpu.memory_space<semaphore_mem>>)
      %dma_wait3A_128 = arith.constant 0 : i32
      %dma_wait3A_129 = arith.constant 0 : i32
      %dma_wait3A_130 = tpu.memref_slice %arg2[%dma_wait3A_128, %dma_wait3A_129] : memref<100000x64xi32, #tpu.memory_space<hbm>> -> memref<100000x64xi32, #tpu.memory_space<hbm>>
      tpu.wait_indirect_dma semaphore(%arg14 : memref<!tpu.dma_semaphore, #tpu.memory_space<semaphore_mem>>) src(%dma_wait3A_130 : memref<100000x64xi32, #tpu.memory_space<hbm>>) dst(%arg11 : memref<256x64xi32, #tpu.memory_space<vmem>>)
      %dma_wait3A_131 = arith.constant 0 : i32
      %dma_wait3A_132 = arith.constant 0 : i32
      %dma_wait3A_133 = tpu.memref_slice %arg2[%dma_wait3A_131, %dma_wait3A_132] : memref<100000x64xi32, #tpu.memory_space<hbm>> -> memref<100000x64xi32, #tpu.memory_space<hbm>>
      tpu.wait_indirect_dma semaphore(%arg15 : memref<!tpu.dma_semaphore, #tpu.memory_space<semaphore_mem>>) src(%dma_wait3A_133 : memref<100000x64xi32, #tpu.memory_space<hbm>>) dst(%arg13 : memref<256x64xi32, #tpu.memory_space<vmem>>)
      %dma_start3A_134 = arith.constant 0 : i32
      %dma_start3A_135 = tpu.memref_slice %arg5[%add3A_109, %dma_start3A_134] : memref<131072x128xi32, #tpu.memory_space<hbm>> -> memref<256x64xi32, #tpu.memory_space<hbm>>
      %dma_start3A_136 = arith.constant 0 : i32
      %dma_start3A_137 = tpu.memref_slice %arg5[%add3A_109, %dma_start3A_136] : memref<131072x128xi32, #tpu.memory_space<hbm>> -> memref<256x64xi32, #tpu.memory_space<hbm>>
      tpu.enqueue_dma source(%arg11 : memref<256x64xi32, #tpu.memory_space<vmem>>) target(%dma_start3A_137 : memref<256x64xi32, #tpu.memory_space<hbm>>) target_semaphore(%arg17 : memref<!tpu.dma_semaphore, #tpu.memory_space<semaphore_mem>>)
      %dma_start3A_138 = arith.constant 64 : i32
      %dma_start3A_139 = tpu.memref_slice %arg5[%add3A_109, %dma_start3A_138] : memref<131072x128xi32, #tpu.memory_space<hbm>> -> memref<256x64xi32, #tpu.memory_space<hbm>>
      %dma_start3A_140 = arith.constant 64 : i32
      %dma_start3A_141 = tpu.memref_slice %arg5[%add3A_109, %dma_start3A_140] : memref<131072x128xi32, #tpu.memory_space<hbm>> -> memref<256x64xi32, #tpu.memory_space<hbm>>
      tpu.enqueue_dma source(%arg13 : memref<256x64xi32, #tpu.memory_space<vmem>>) target(%dma_start3A_141 : memref<256x64xi32, #tpu.memory_space<hbm>>) target_semaphore(%arg17 : memref<!tpu.dma_semaphore, #tpu.memory_space<semaphore_mem>>)
    }
    %scan3A_47 = arith.constant 7 : i32
    %dma_wait3A_48 = arith.constant 0 : i32
    %dma_wait3A_49 = arith.constant 0 : i32
    %dma_wait3A_50 = tpu.memref_slice %arg5[%dma_wait3A_48, %dma_wait3A_49] : memref<131072x128xi32, #tpu.memory_space<hbm>> -> memref<256x64xi32, #tpu.memory_space<hbm>>
    %dma_wait3A_51 = arith.constant 0 : i32
    %dma_wait3A_52 = arith.constant 0 : i32
    %dma_wait3A_53 = tpu.memref_slice %arg5[%dma_wait3A_51, %dma_wait3A_52] : memref<131072x128xi32, #tpu.memory_space<hbm>> -> memref<256x64xi32, #tpu.memory_space<hbm>>
    tpu.wait_dma2 semaphore(%arg16 : memref<!tpu.dma_semaphore, #tpu.memory_space<semaphore_mem>>) src(%arg10 : memref<256x64xi32, #tpu.memory_space<vmem>>) dst(%dma_wait3A_53 : memref<256x64xi32, #tpu.memory_space<hbm>>)
    %dma_wait3A_54 = arith.constant 0 : i32
    %dma_wait3A_55 = arith.constant 0 : i32
    %dma_wait3A_56 = tpu.memref_slice %arg5[%dma_wait3A_54, %dma_wait3A_55] : memref<131072x128xi32, #tpu.memory_space<hbm>> -> memref<256x64xi32, #tpu.memory_space<hbm>>
    %dma_wait3A_57 = arith.constant 0 : i32
    %dma_wait3A_58 = arith.constant 0 : i32
    %dma_wait3A_59 = tpu.memref_slice %arg5[%dma_wait3A_57, %dma_wait3A_58] : memref<131072x128xi32, #tpu.memory_space<hbm>> -> memref<256x64xi32, #tpu.memory_space<hbm>>
    tpu.wait_dma2 semaphore(%arg16 : memref<!tpu.dma_semaphore, #tpu.memory_space<semaphore_mem>>) src(%arg12 : memref<256x64xi32, #tpu.memory_space<vmem>>) dst(%dma_wait3A_59 : memref<256x64xi32, #tpu.memory_space<hbm>>)
    %dma_wait3A_60 = arith.constant 0 : i32
    %dma_wait3A_61 = arith.constant 0 : i32
    %dma_wait3A_62 = tpu.memref_slice %arg5[%dma_wait3A_60, %dma_wait3A_61] : memref<131072x128xi32, #tpu.memory_space<hbm>> -> memref<256x64xi32, #tpu.memory_space<hbm>>
    %dma_wait3A_63 = arith.constant 0 : i32
    %dma_wait3A_64 = arith.constant 0 : i32
    %dma_wait3A_65 = tpu.memref_slice %arg5[%dma_wait3A_63, %dma_wait3A_64] : memref<131072x128xi32, #tpu.memory_space<hbm>> -> memref<256x64xi32, #tpu.memory_space<hbm>>
    tpu.wait_dma2 semaphore(%arg17 : memref<!tpu.dma_semaphore, #tpu.memory_space<semaphore_mem>>) src(%arg11 : memref<256x64xi32, #tpu.memory_space<vmem>>) dst(%dma_wait3A_65 : memref<256x64xi32, #tpu.memory_space<hbm>>)
    %dma_wait3A_66 = arith.constant 0 : i32
    %dma_wait3A_67 = arith.constant 0 : i32
    %dma_wait3A_68 = tpu.memref_slice %arg5[%dma_wait3A_66, %dma_wait3A_67] : memref<131072x128xi32, #tpu.memory_space<hbm>> -> memref<256x64xi32, #tpu.memory_space<hbm>>
    %dma_wait3A_69 = arith.constant 0 : i32
    %dma_wait3A_70 = arith.constant 0 : i32
    %dma_wait3A_71 = tpu.memref_slice %arg5[%dma_wait3A_69, %dma_wait3A_70] : memref<131072x128xi32, #tpu.memory_space<hbm>> -> memref<256x64xi32, #tpu.memory_space<hbm>>
    tpu.wait_dma2 semaphore(%arg17 : memref<!tpu.dma_semaphore, #tpu.memory_space<semaphore_mem>>) src(%arg13 : memref<256x64xi32, #tpu.memory_space<vmem>>) dst(%dma_wait3A_71 : memref<256x64xi32, #tpu.memory_space<hbm>>)
    return
  }
}

module attributes {stable_mosaic.version = 14 : i64} {
  func.func @_tc1_body(%arg0: i32, %arg1: memref<1x1x4096xi32, #tpu.memory_space<vmem>>, %arg2: memref<1x1x4096xi32, #tpu.memory_space<vmem>>, %arg3: memref<4096x128xi32, #tpu.memory_space<vmem>>, %arg4: memref<4096x128xi32, #tpu.memory_space<vmem>>, %arg5: memref<4096x128xi32, #tpu.memory_space<vmem>>, %arg6: memref<32x128xbf16, #tpu.memory_space<vmem>>, %arg7: memref<128x128xbf16, #tpu.memory_space<vmem>>, %arg8: memref<128x128xbf16, #tpu.memory_space<vmem>>, %arg9: memref<128x128xbf16, #tpu.memory_space<vmem>>, %arg10: memref<1x128xbf16, #tpu.memory_space<vmem>>, %arg11: memref<1x128xf32, #tpu.memory_space<vmem>>, %arg12: memref<1x128xf32, #tpu.memory_space<vmem>>, %arg13: memref<1x128xf32, #tpu.memory_space<vmem>>, %arg14: memref<384x128xbf16, #tpu.memory_space<vmem>>, %arg15: memref<1x128xf32, #tpu.memory_space<vmem>>, %arg16: memref<64x128xf32, #tpu.memory_space<vmem>>, %arg17: memref<64x128xf32, #tpu.memory_space<vmem>>) attributes {dimension_semantics = [#tpu.dimension_semantics<arbitrary>], iteration_bounds = array<i64: 16>, scalar_prefetch = 0 : i64, scratch_operands = 0 : i64, tpu.core_type = #tpu.core_type<tc>, window_params = [{transform_indices = @transform_0, window_bounds = array<i64: 1, 1, 4096>}, {transform_indices = @transform_1, window_bounds = array<i64: 1, 1, 4096>}, {transform_indices = @transform_2, window_bounds = array<i64: 4096, 128>}, {transform_indices = @transform_3, window_bounds = array<i64: 4096, 128>}, {transform_indices = @transform_4, window_bounds = array<i64: 4096, 128>}, {pipeline_mode = #tpu.pipeline_mode<synchronous>, transform_indices = @transform_5, window_bounds = array<i64: 32, 128>}, {pipeline_mode = #tpu.pipeline_mode<synchronous>, transform_indices = @transform_6, window_bounds = array<i64: 128, 128>}, {pipeline_mode = #tpu.pipeline_mode<synchronous>, transform_indices = @transform_7, window_bounds = array<i64: 128, 128>}, {pipeline_mode = #tpu.pipeline_mode<synchronous>, transform_indices = @transform_8, window_bounds = array<i64: 128, 128>}, {pipeline_mode = #tpu.pipeline_mode<synchronous>, transform_indices = @transform_9, window_bounds = array<i64: 1, 128>}, {pipeline_mode = #tpu.pipeline_mode<synchronous>, transform_indices = @transform_10, window_bounds = array<i64: 1, 128>}, {pipeline_mode = #tpu.pipeline_mode<synchronous>, transform_indices = @transform_11, window_bounds = array<i64: 1, 128>}, {pipeline_mode = #tpu.pipeline_mode<synchronous>, transform_indices = @transform_12, window_bounds = array<i64: 1, 128>}, {pipeline_mode = #tpu.pipeline_mode<synchronous>, transform_indices = @transform_13, window_bounds = array<i64: 384, 128>}, {pipeline_mode = #tpu.pipeline_mode<synchronous>, transform_indices = @transform_14, window_bounds = array<i64: 1, 128>}, {transform_indices = @transform_15, window_bounds = array<i64: 64, 128>}, {transform_indices = @transform_16, window_bounds = array<i64: 64, 128>}]} {
    %get3A = arith.constant 0 : index
    %get3A_0 = arith.constant 0 : index
    %get3A_1 = vector.load %arg6[%get3A, %get3A_0] : memref<32x128xbf16, #tpu.memory_space<vmem>>, vector<32x128xbf16>
    %get3A_2 = arith.constant 0 : index
    %get3A_3 = arith.constant 0 : index
    %get3A_4 = vector.load %arg8[%get3A_2, %get3A_3] : memref<128x128xbf16, #tpu.memory_space<vmem>>, vector<128x128xbf16>
    %dot_general3A = arith.constant dense<0.000000e+00> : vector<32x128xf32>
    %dot_general3A_5 = tpu.matmul %get3A_1, %get3A_4, %dot_general3A {dimension_numbers = #tpu.dot_dimension_numbers<[1], [0], [0], [1], [0, 0, 1, 1], [], []>, transpose_lhs_hint = false} : vector<32x128xbf16>, vector<128x128xbf16>, vector<32x128xf32> -> vector<32x128xf32>
    %convert_element_type3A = arith.truncf %dot_general3A_5 : vector<32x128xf32> to vector<32x128xbf16>
    %iota3A = tpu.iota {dimensions = array<i32: 1>} : vector<64x4096xi32>
    %iota3A_6 = tpu.iota {dimensions = array<i32: 0>} : vector<64x4096xi32>
    %shift_right_arithmetic3A = arith.constant 6 : i32
    %shift_right_arithmetic3A_7 = vector.broadcast %shift_right_arithmetic3A : i32 to vector<64x4096xi32>
    %shift_right_arithmetic3A_8 = arith.shrsi %iota3A, %shift_right_arithmetic3A_7 : vector<64x4096xi32>
    %eq3A = arith.cmpi eq, %shift_right_arithmetic3A_8, %iota3A_6 : vector<64x4096xi32>
    %convert_element_type3A_9 = arith.extui %eq3A : vector<64x4096xi1> to vector<64x4096xi32>
    %convert_element_type3A_10 = arith.sitofp %convert_element_type3A_9 : vector<64x4096xi32> to vector<64x4096xf32>
    %mul3A = arith.constant 1.562500e-02 : f32
    %mul3A_11 = vector.broadcast %mul3A : f32 to vector<64x4096xf32>
    %mul3A_12 = arith.mulf %convert_element_type3A_10, %mul3A_11 : vector<64x4096xf32>
    %convert_element_type3A_13 = arith.truncf %mul3A_12 : vector<64x4096xf32> to vector<64x4096xbf16>
    %iota3A_14 = tpu.iota {dimensions = array<i32: 0>} : vector<32x4096xi32>
    %get3A_15 = arith.constant 0 : index
    %get3A_16 = arith.constant 0 : index
    %get3A_17 = vector.load %arg3[%get3A_15, %get3A_16] : memref<4096x128xi32, #tpu.memory_space<vmem>>, vector<4096x128xi32>
    %get3A_18 = arith.constant 0 : index
    %get3A_19 = arith.constant 0 : index
    %get3A_20 = vector.load %arg14[%get3A_18, %get3A_19] : memref<384x128xbf16, #tpu.memory_space<vmem>>, vector<384x128xbf16>
    %slice3A = vector.extract_strided_slice %get3A_17 {offsets = [0, 0], sizes = [4096, 64], strides = [1, 1]} : vector<4096x128xi32> to vector<4096x64xi32>
    %shift_left3A = arith.constant 16 : i32
    %shift_left3A_21 = vector.broadcast %shift_left3A : i32 to vector<4096x64xi32>
    %shift_left3A_22 = arith.shli %slice3A, %shift_left3A_21 : vector<4096x64xi32>
    %bitcast_convert_type3A = tpu.bitcast %shift_left3A_22 : vector<4096x64xi32> -> vector<4096x64xf32>
    %convert_element_type3A_23 = arith.truncf %bitcast_convert_type3A : vector<4096x64xf32> to vector<4096x64xbf16>
    %bitcast_convert_type3A_24 = tpu.bitcast %slice3A : vector<4096x64xi32> -> vector<4096x64xf32>
    %convert_element_type3A_25 = arith.truncf %bitcast_convert_type3A_24 : vector<4096x64xf32> to vector<4096x64xbf16>
    %concatenate3A = tpu.concatenate %convert_element_type3A_23, %convert_element_type3A_25 in 1 : vector<4096x64xbf16>, vector<4096x64xbf16> -> vector<4096x128xbf16>
    %dot_general3A_26 = arith.constant dense<0.000000e+00> : vector<64x128xf32>
    %dot_general3A_27 = tpu.matmul %convert_element_type3A_13, %concatenate3A, %dot_general3A_26 {dimension_numbers = #tpu.dot_dimension_numbers<[1], [0], [0], [1], [0, 0, 1, 1], [], []>, transpose_lhs_hint = false} : vector<64x4096xbf16>, vector<4096x128xbf16>, vector<64x128xf32> -> vector<64x128xf32>
    %convert_element_type3A_28 = arith.truncf %dot_general3A_27 : vector<64x128xf32> to vector<64x128xbf16>
    %slice3A_29 = vector.extract_strided_slice %get3A_20 {offsets = [0, 0], sizes = [128, 128], strides = [1, 1]} : vector<384x128xbf16> to vector<128x128xbf16>
    %dot_general3A_30 = arith.constant dense<0.000000e+00> : vector<64x128xf32>
    %dot_general3A_31 = tpu.matmul %convert_element_type3A_28, %slice3A_29, %dot_general3A_30 {dimension_numbers = #tpu.dot_dimension_numbers<[1], [0], [0], [1], [0, 0, 1, 1], [], []>, transpose_lhs_hint = false} : vector<64x128xbf16>, vector<128x128xbf16>, vector<64x128xf32> -> vector<64x128xf32>
    %get3A_32 = arith.constant 0 : index
    %get3A_33 = arith.constant 0 : index
    %get3A_34 = vector.load %arg4[%get3A_32, %get3A_33] : memref<4096x128xi32, #tpu.memory_space<vmem>>, vector<4096x128xi32>
    %get3A_35 = arith.constant 0 : index
    %get3A_36 = arith.constant 0 : index
    %get3A_37 = vector.load %arg5[%get3A_35, %get3A_36] : memref<4096x128xi32, #tpu.memory_space<vmem>>, vector<4096x128xi32>
    %get3A_38 = arith.constant 0 : index
    %get3A_39 = arith.constant 0 : index
    %get3A_40 = vector.load %arg13[%get3A_38, %get3A_39] : memref<1x128xf32, #tpu.memory_space<vmem>>, vector<1x1xf32>
    %get3A_41 = arith.constant 0 : index
    %get3A_42 = arith.constant 0 : index
    %get3A_43 = arith.constant 0 : index
    %get3A_44 = vector.load %arg1[%get3A_41, %get3A_42, %get3A_43] : memref<1x1x4096xi32, #tpu.memory_space<vmem>>, vector<1x1x4096xi32>
    %reshape3A = vector.shape_cast %get3A_44 : vector<1x1x4096xi32> to vector<1x4096xi32>
    %eq3A_45 = vector.broadcast %reshape3A : vector<1x4096xi32> to vector<32x4096xi32>
    %eq3A_46 = arith.cmpi eq, %iota3A_14, %eq3A_45 : vector<32x4096xi32>
    %convert_element_type3A_47 = arith.extui %eq3A_46 : vector<32x4096xi1> to vector<32x4096xi32>
    %convert_element_type3A_48 = arith.sitofp %convert_element_type3A_47 : vector<32x4096xi32> to vector<32x4096xf32>
    %convert_element_type3A_49 = arith.truncf %convert_element_type3A_48 : vector<32x4096xf32> to vector<32x4096xbf16>
    %dot_general3A_50 = arith.constant dense<0.000000e+00> : vector<4096x128xf32>
    %dot_general3A_51 = tpu.matmul %convert_element_type3A_49, %convert_element_type3A, %dot_general3A_50 {dimension_numbers = #tpu.dot_dimension_numbers<[0], [0], [1], [1], [0, 1, 1, 1], [], []>, transpose_lhs_hint = false} : vector<32x4096xbf16>, vector<32x128xbf16>, vector<4096x128xf32> -> vector<4096x128xf32>
    %slice3A_52 = vector.extract_strided_slice %get3A_34 {offsets = [0, 0], sizes = [4096, 64], strides = [1, 1]} : vector<4096x128xi32> to vector<4096x64xi32>
    %shift_left3A_53 = arith.constant 16 : i32
    %shift_left3A_54 = vector.broadcast %shift_left3A_53 : i32 to vector<4096x64xi32>
    %shift_left3A_55 = arith.shli %slice3A_52, %shift_left3A_54 : vector<4096x64xi32>
    %bitcast_convert_type3A_56 = tpu.bitcast %shift_left3A_55 : vector<4096x64xi32> -> vector<4096x64xf32>
    %convert_element_type3A_57 = arith.truncf %bitcast_convert_type3A_56 : vector<4096x64xf32> to vector<4096x64xbf16>
    %bitcast_convert_type3A_58 = tpu.bitcast %slice3A_52 : vector<4096x64xi32> -> vector<4096x64xf32>
    %convert_element_type3A_59 = arith.truncf %bitcast_convert_type3A_58 : vector<4096x64xf32> to vector<4096x64xbf16>
    %concatenate3A_60 = tpu.concatenate %convert_element_type3A_57, %convert_element_type3A_59 in 1 : vector<4096x64xbf16>, vector<4096x64xbf16> -> vector<4096x128xbf16>
    %get3A_61 = arith.constant 0 : index
    %get3A_62 = arith.constant 0 : index
    %get3A_63 = vector.load %arg7[%get3A_61, %get3A_62] : memref<128x128xbf16, #tpu.memory_space<vmem>>, vector<128x128xbf16>
    %dot_general3A_64 = arith.constant dense<0.000000e+00> : vector<4096x128xf32>
    %dot_general3A_65 = tpu.matmul %concatenate3A_60, %get3A_63, %dot_general3A_64 {dimension_numbers = #tpu.dot_dimension_numbers<[1], [0], [0], [1], [0, 0, 1, 1], [], []>, transpose_lhs_hint = false} : vector<4096x128xbf16>, vector<128x128xbf16>, vector<4096x128xf32> -> vector<4096x128xf32>
    %add3A = arith.addf %dot_general3A_65, %dot_general3A_51 : vector<4096x128xf32>
    %get3A_66 = arith.constant 0 : index
    %get3A_67 = arith.constant 0 : index
    %get3A_68 = vector.load %arg11[%get3A_66, %get3A_67] : memref<1x128xf32, #tpu.memory_space<vmem>>, vector<1x128xf32>
    %add3A_69 = vector.broadcast %get3A_68 : vector<1x128xf32> to vector<4096x128xf32>
    %add3A_70 = arith.addf %add3A, %add3A_69 : vector<4096x128xf32>
    %max3A = arith.constant 0.000000e+00 : f32
    %max3A_71 = vector.broadcast %max3A : f32 to vector<4096x128xf32>
    %max3A_72 = arith.maximumf %add3A_70, %max3A_71 : vector<4096x128xf32>
    %convert_element_type3A_73 = arith.truncf %max3A_72 : vector<4096x128xf32> to vector<4096x128xbf16>
    %get3A_74 = arith.constant 0 : index
    %get3A_75 = arith.constant 0 : index
    %get3A_76 = vector.load %arg9[%get3A_74, %get3A_75] : memref<128x128xbf16, #tpu.memory_space<vmem>>, vector<128x128xbf16>
    %dot_general3A_77 = arith.constant dense<0.000000e+00> : vector<4096x128xf32>
    %dot_general3A_78 = tpu.matmul %convert_element_type3A_73, %get3A_76, %dot_general3A_77 {dimension_numbers = #tpu.dot_dimension_numbers<[1], [0], [0], [1], [0, 0, 1, 1], [], []>, transpose_lhs_hint = false} : vector<4096x128xbf16>, vector<128x128xbf16>, vector<4096x128xf32> -> vector<4096x128xf32>
    %get3A_79 = arith.constant 0 : index
    %get3A_80 = arith.constant 0 : index
    %get3A_81 = vector.load %arg12[%get3A_79, %get3A_80] : memref<1x128xf32, #tpu.memory_space<vmem>>, vector<1x128xf32>
    %add3A_82 = vector.broadcast %get3A_81 : vector<1x128xf32> to vector<4096x128xf32>
    %add3A_83 = arith.addf %dot_general3A_78, %add3A_82 : vector<4096x128xf32>
    %max3A_84 = arith.constant 0.000000e+00 : f32
    %max3A_85 = vector.broadcast %max3A_84 : f32 to vector<4096x128xf32>
    %max3A_86 = arith.maximumf %add3A_83, %max3A_85 : vector<4096x128xf32>
    %convert_element_type3A_87 = arith.truncf %max3A_86 : vector<4096x128xf32> to vector<4096x128xbf16>
    %get3A_88 = arith.constant 0 : index
    %get3A_89 = arith.constant 0 : index
    %get3A_90 = vector.load %arg10[%get3A_88, %get3A_89] : memref<1x128xbf16, #tpu.memory_space<vmem>>, vector<1x128xbf16>
    %dot_general3A_91 = arith.constant dense<0.000000e+00> : vector<1x4096xf32>
    %dot_general3A_92 = tpu.matmul %get3A_90, %convert_element_type3A_87, %dot_general3A_91 {dimension_numbers = #tpu.dot_dimension_numbers<[1], [1], [0], [0], [0, 0, 1, 0], [], []>, transpose_lhs_hint = false} : vector<1x128xbf16>, vector<4096x128xbf16>, vector<1x4096xf32> -> vector<1x4096xf32>
    %add3A_93 = vector.broadcast %get3A_40 : vector<1x1xf32> to vector<1x4096xf32>
    %add3A_94 = arith.addf %dot_general3A_92, %add3A_93 : vector<1x4096xf32>
    %logistic3A = arith.negf %add3A_94 : vector<1x4096xf32>
    %logistic3A_95 = math.exp %logistic3A : vector<1x4096xf32>
    %logistic3A_96 = arith.constant 1.000000e+00 : f32
    %logistic3A_97 = vector.broadcast %logistic3A_96 : f32 to vector<1x4096xf32>
    %logistic3A_98 = arith.addf %logistic3A_97, %logistic3A_95 : vector<1x4096xf32>
    %logistic3A_99 = arith.divf %logistic3A_97, %logistic3A_98 : vector<1x4096xf32>
    %exp3A = math.exp %logistic3A_99 : vector<1x4096xf32>
    %mul3A_100 = vector.broadcast %exp3A : vector<1x4096xf32> to vector<64x4096xf32>
    %mul3A_101 = arith.mulf %convert_element_type3A_10, %mul3A_100 : vector<64x4096xf32>
    %convert_element_type3A_102 = arith.truncf %mul3A_101 : vector<64x4096xf32> to vector<64x4096xbf16>
    %slice3A_103 = vector.extract_strided_slice %get3A_34 {offsets = [0, 64], sizes = [4096, 64], strides = [1, 1]} : vector<4096x128xi32> to vector<4096x64xi32>
    %shift_left3A_104 = arith.constant 16 : i32
    %shift_left3A_105 = vector.broadcast %shift_left3A_104 : i32 to vector<4096x64xi32>
    %shift_left3A_106 = arith.shli %slice3A_103, %shift_left3A_105 : vector<4096x64xi32>
    %bitcast_convert_type3A_107 = tpu.bitcast %shift_left3A_106 : vector<4096x64xi32> -> vector<4096x64xf32>
    %convert_element_type3A_108 = arith.truncf %bitcast_convert_type3A_107 : vector<4096x64xf32> to vector<4096x64xbf16>
    %bitcast_convert_type3A_109 = tpu.bitcast %slice3A_103 : vector<4096x64xi32> -> vector<4096x64xf32>
    %convert_element_type3A_110 = arith.truncf %bitcast_convert_type3A_109 : vector<4096x64xf32> to vector<4096x64xbf16>
    %concatenate3A_111 = tpu.concatenate %convert_element_type3A_108, %convert_element_type3A_110 in 1 : vector<4096x64xbf16>, vector<4096x64xbf16> -> vector<4096x128xbf16>
    %dot_general3A_112 = arith.constant dense<0.000000e+00> : vector<64x128xf32>
    %dot_general3A_113 = tpu.matmul %convert_element_type3A_102, %concatenate3A_111, %dot_general3A_112 {dimension_numbers = #tpu.dot_dimension_numbers<[1], [0], [0], [1], [0, 0, 1, 1], [], []>, transpose_lhs_hint = false} : vector<64x4096xbf16>, vector<4096x128xbf16>, vector<64x128xf32> -> vector<64x128xf32>
    %reduce_sum3A = arith.constant dense<0.000000e+00> : vector<64xf32>
    %reduce_sum3A_114 = vector.multi_reduction <add>, %mul3A_101, %reduce_sum3A [1] : vector<64x4096xf32> to vector<64xf32>
    %broadcast_in_dim3A = vector.shape_cast %reduce_sum3A_114 : vector<64xf32> to vector<64x1xf32>
    %div3A = vector.broadcast %broadcast_in_dim3A : vector<64x1xf32> to vector<64x128xf32>
    %div3A_115 = arith.divf %dot_general3A_113, %div3A : vector<64x128xf32>
    %convert_element_type3A_116 = arith.truncf %div3A_115 : vector<64x128xf32> to vector<64x128xbf16>
    %slice3A_117 = vector.extract_strided_slice %get3A_20 {offsets = [128, 0], sizes = [128, 128], strides = [1, 1]} : vector<384x128xbf16> to vector<128x128xbf16>
    %dot_general3A_118 = arith.constant dense<0.000000e+00> : vector<64x128xf32>
    %dot_general3A_119 = tpu.matmul %convert_element_type3A_116, %slice3A_117, %dot_general3A_118 {dimension_numbers = #tpu.dot_dimension_numbers<[1], [0], [0], [1], [0, 0, 1, 1], [], []>, transpose_lhs_hint = false} : vector<64x128xbf16>, vector<128x128xbf16>, vector<64x128xf32> -> vector<64x128xf32>
    %add3A_120 = arith.addf %dot_general3A_31, %dot_general3A_119 : vector<64x128xf32>
    %get3A_121 = arith.constant 0 : index
    %get3A_122 = arith.constant 0 : index
    %get3A_123 = arith.constant 0 : index
    %get3A_124 = vector.load %arg2[%get3A_121, %get3A_122, %get3A_123] : memref<1x1x4096xi32, #tpu.memory_space<vmem>>, vector<1x1x4096xi32>
    %reshape3A_125 = vector.shape_cast %get3A_124 : vector<1x1x4096xi32> to vector<1x4096xi32>
    %eq3A_126 = vector.broadcast %reshape3A_125 : vector<1x4096xi32> to vector<32x4096xi32>
    %eq3A_127 = arith.cmpi eq, %iota3A_14, %eq3A_126 : vector<32x4096xi32>
    %convert_element_type3A_128 = arith.extui %eq3A_127 : vector<32x4096xi1> to vector<32x4096xi32>
    %convert_element_type3A_129 = arith.sitofp %convert_element_type3A_128 : vector<32x4096xi32> to vector<32x4096xf32>
    %convert_element_type3A_130 = arith.truncf %convert_element_type3A_129 : vector<32x4096xf32> to vector<32x4096xbf16>
    %dot_general3A_131 = arith.constant dense<0.000000e+00> : vector<4096x128xf32>
    %dot_general3A_132 = tpu.matmul %convert_element_type3A_130, %convert_element_type3A, %dot_general3A_131 {dimension_numbers = #tpu.dot_dimension_numbers<[0], [0], [1], [1], [0, 1, 1, 1], [], []>, transpose_lhs_hint = false} : vector<32x4096xbf16>, vector<32x128xbf16>, vector<4096x128xf32> -> vector<4096x128xf32>
    %slice3A_133 = vector.extract_strided_slice %get3A_37 {offsets = [0, 0], sizes = [4096, 64], strides = [1, 1]} : vector<4096x128xi32> to vector<4096x64xi32>
    %shift_left3A_134 = arith.constant 16 : i32
    %shift_left3A_135 = vector.broadcast %shift_left3A_134 : i32 to vector<4096x64xi32>
    %shift_left3A_136 = arith.shli %slice3A_133, %shift_left3A_135 : vector<4096x64xi32>
    %bitcast_convert_type3A_137 = tpu.bitcast %shift_left3A_136 : vector<4096x64xi32> -> vector<4096x64xf32>
    %convert_element_type3A_138 = arith.truncf %bitcast_convert_type3A_137 : vector<4096x64xf32> to vector<4096x64xbf16>
    %bitcast_convert_type3A_139 = tpu.bitcast %slice3A_133 : vector<4096x64xi32> -> vector<4096x64xf32>
    %convert_element_type3A_140 = arith.truncf %bitcast_convert_type3A_139 : vector<4096x64xf32> to vector<4096x64xbf16>
    %concatenate3A_141 = tpu.concatenate %convert_element_type3A_138, %convert_element_type3A_140 in 1 : vector<4096x64xbf16>, vector<4096x64xbf16> -> vector<4096x128xbf16>
    %get3A_142 = arith.constant 0 : index
    %get3A_143 = arith.constant 0 : index
    %get3A_144 = vector.load %arg7[%get3A_142, %get3A_143] : memref<128x128xbf16, #tpu.memory_space<vmem>>, vector<128x128xbf16>
    %dot_general3A_145 = arith.constant dense<0.000000e+00> : vector<4096x128xf32>
    %dot_general3A_146 = tpu.matmul %concatenate3A_141, %get3A_144, %dot_general3A_145 {dimension_numbers = #tpu.dot_dimension_numbers<[1], [0], [0], [1], [0, 0, 1, 1], [], []>, transpose_lhs_hint = false} : vector<4096x128xbf16>, vector<128x128xbf16>, vector<4096x128xf32> -> vector<4096x128xf32>
    %add3A_147 = arith.addf %dot_general3A_146, %dot_general3A_132 : vector<4096x128xf32>
    %get3A_148 = arith.constant 0 : index
    %get3A_149 = arith.constant 0 : index
    %get3A_150 = vector.load %arg11[%get3A_148, %get3A_149] : memref<1x128xf32, #tpu.memory_space<vmem>>, vector<1x128xf32>
    %add3A_151 = vector.broadcast %get3A_150 : vector<1x128xf32> to vector<4096x128xf32>
    %add3A_152 = arith.addf %add3A_147, %add3A_151 : vector<4096x128xf32>
    %max3A_153 = arith.constant 0.000000e+00 : f32
    %max3A_154 = vector.broadcast %max3A_153 : f32 to vector<4096x128xf32>
    %max3A_155 = arith.maximumf %add3A_152, %max3A_154 : vector<4096x128xf32>
    %convert_element_type3A_156 = arith.truncf %max3A_155 : vector<4096x128xf32> to vector<4096x128xbf16>
    %get3A_157 = arith.constant 0 : index
    %get3A_158 = arith.constant 0 : index
    %get3A_159 = vector.load %arg9[%get3A_157, %get3A_158] : memref<128x128xbf16, #tpu.memory_space<vmem>>, vector<128x128xbf16>
    %dot_general3A_160 = arith.constant dense<0.000000e+00> : vector<4096x128xf32>
    %dot_general3A_161 = tpu.matmul %convert_element_type3A_156, %get3A_159, %dot_general3A_160 {dimension_numbers = #tpu.dot_dimension_numbers<[1], [0], [0], [1], [0, 0, 1, 1], [], []>, transpose_lhs_hint = false} : vector<4096x128xbf16>, vector<128x128xbf16>, vector<4096x128xf32> -> vector<4096x128xf32>
    %get3A_162 = arith.constant 0 : index
    %get3A_163 = arith.constant 0 : index
    %get3A_164 = vector.load %arg12[%get3A_162, %get3A_163] : memref<1x128xf32, #tpu.memory_space<vmem>>, vector<1x128xf32>
    %add3A_165 = vector.broadcast %get3A_164 : vector<1x128xf32> to vector<4096x128xf32>
    %add3A_166 = arith.addf %dot_general3A_161, %add3A_165 : vector<4096x128xf32>
    %max3A_167 = arith.constant 0.000000e+00 : f32
    %max3A_168 = vector.broadcast %max3A_167 : f32 to vector<4096x128xf32>
    %max3A_169 = arith.maximumf %add3A_166, %max3A_168 : vector<4096x128xf32>
    %convert_element_type3A_170 = arith.truncf %max3A_169 : vector<4096x128xf32> to vector<4096x128xbf16>
    %get3A_171 = arith.constant 0 : index
    %get3A_172 = arith.constant 0 : index
    %get3A_173 = vector.load %arg10[%get3A_171, %get3A_172] : memref<1x128xbf16, #tpu.memory_space<vmem>>, vector<1x128xbf16>
    %dot_general3A_174 = arith.constant dense<0.000000e+00> : vector<1x4096xf32>
    %dot_general3A_175 = tpu.matmul %get3A_173, %convert_element_type3A_170, %dot_general3A_174 {dimension_numbers = #tpu.dot_dimension_numbers<[1], [1], [0], [0], [0, 0, 1, 0], [], []>, transpose_lhs_hint = false} : vector<1x128xbf16>, vector<4096x128xbf16>, vector<1x4096xf32> -> vector<1x4096xf32>
    %add3A_176 = vector.broadcast %get3A_40 : vector<1x1xf32> to vector<1x4096xf32>
    %add3A_177 = arith.addf %dot_general3A_175, %add3A_176 : vector<1x4096xf32>
    %logistic3A_178 = arith.negf %add3A_177 : vector<1x4096xf32>
    %logistic3A_179 = math.exp %logistic3A_178 : vector<1x4096xf32>
    %logistic3A_180 = arith.constant 1.000000e+00 : f32
    %logistic3A_181 = vector.broadcast %logistic3A_180 : f32 to vector<1x4096xf32>
    %logistic3A_182 = arith.addf %logistic3A_181, %logistic3A_179 : vector<1x4096xf32>
    %logistic3A_183 = arith.divf %logistic3A_181, %logistic3A_182 : vector<1x4096xf32>
    %exp3A_184 = math.exp %logistic3A_183 : vector<1x4096xf32>
    %mul3A_185 = vector.broadcast %exp3A_184 : vector<1x4096xf32> to vector<64x4096xf32>
    %mul3A_186 = arith.mulf %convert_element_type3A_10, %mul3A_185 : vector<64x4096xf32>
    %convert_element_type3A_187 = arith.truncf %mul3A_186 : vector<64x4096xf32> to vector<64x4096xbf16>
    %slice3A_188 = vector.extract_strided_slice %get3A_37 {offsets = [0, 64], sizes = [4096, 64], strides = [1, 1]} : vector<4096x128xi32> to vector<4096x64xi32>
    %shift_left3A_189 = arith.constant 16 : i32
    %shift_left3A_190 = vector.broadcast %shift_left3A_189 : i32 to vector<4096x64xi32>
    %shift_left3A_191 = arith.shli %slice3A_188, %shift_left3A_190 : vector<4096x64xi32>
    %bitcast_convert_type3A_192 = tpu.bitcast %shift_left3A_191 : vector<4096x64xi32> -> vector<4096x64xf32>
    %convert_element_type3A_193 = arith.truncf %bitcast_convert_type3A_192 : vector<4096x64xf32> to vector<4096x64xbf16>
    %bitcast_convert_type3A_194 = tpu.bitcast %slice3A_188 : vector<4096x64xi32> -> vector<4096x64xf32>
    %convert_element_type3A_195 = arith.truncf %bitcast_convert_type3A_194 : vector<4096x64xf32> to vector<4096x64xbf16>
    %concatenate3A_196 = tpu.concatenate %convert_element_type3A_193, %convert_element_type3A_195 in 1 : vector<4096x64xbf16>, vector<4096x64xbf16> -> vector<4096x128xbf16>
    %dot_general3A_197 = arith.constant dense<0.000000e+00> : vector<64x128xf32>
    %dot_general3A_198 = tpu.matmul %convert_element_type3A_187, %concatenate3A_196, %dot_general3A_197 {dimension_numbers = #tpu.dot_dimension_numbers<[1], [0], [0], [1], [0, 0, 1, 1], [], []>, transpose_lhs_hint = false} : vector<64x4096xbf16>, vector<4096x128xbf16>, vector<64x128xf32> -> vector<64x128xf32>
    %reduce_sum3A_199 = arith.constant dense<0.000000e+00> : vector<64xf32>
    %reduce_sum3A_200 = vector.multi_reduction <add>, %mul3A_186, %reduce_sum3A_199 [1] : vector<64x4096xf32> to vector<64xf32>
    %broadcast_in_dim3A_201 = vector.shape_cast %reduce_sum3A_200 : vector<64xf32> to vector<64x1xf32>
    %div3A_202 = vector.broadcast %broadcast_in_dim3A_201 : vector<64x1xf32> to vector<64x128xf32>
    %div3A_203 = arith.divf %dot_general3A_198, %div3A_202 : vector<64x128xf32>
    %convert_element_type3A_204 = arith.truncf %div3A_203 : vector<64x128xf32> to vector<64x128xbf16>
    %slice3A_205 = vector.extract_strided_slice %get3A_20 {offsets = [256, 0], sizes = [128, 128], strides = [1, 1]} : vector<384x128xbf16> to vector<128x128xbf16>
    %dot_general3A_206 = arith.constant dense<0.000000e+00> : vector<64x128xf32>
    %dot_general3A_207 = tpu.matmul %convert_element_type3A_204, %slice3A_205, %dot_general3A_206 {dimension_numbers = #tpu.dot_dimension_numbers<[1], [0], [0], [1], [0, 0, 1, 1], [], []>, transpose_lhs_hint = false} : vector<64x128xbf16>, vector<128x128xbf16>, vector<64x128xf32> -> vector<64x128xf32>
    %add3A_208 = arith.addf %add3A_120, %dot_general3A_207 : vector<64x128xf32>
    %get3A_209 = arith.constant 0 : index
    %get3A_210 = arith.constant 0 : index
    %get3A_211 = vector.load %arg15[%get3A_209, %get3A_210] : memref<1x128xf32, #tpu.memory_space<vmem>>, vector<1x128xf32>
    %add3A_212 = vector.broadcast %get3A_211 : vector<1x128xf32> to vector<64x128xf32>
    %add3A_213 = arith.addf %add3A_208, %add3A_212 : vector<64x128xf32>
    %logistic3A_214 = arith.negf %add3A_213 : vector<64x128xf32>
    %logistic3A_215 = math.exp %logistic3A_214 : vector<64x128xf32>
    %logistic3A_216 = arith.constant 1.000000e+00 : f32
    %logistic3A_217 = vector.broadcast %logistic3A_216 : f32 to vector<64x128xf32>
    %logistic3A_218 = arith.addf %logistic3A_217, %logistic3A_215 : vector<64x128xf32>
    %logistic3A_219 = arith.divf %logistic3A_217, %logistic3A_218 : vector<64x128xf32>
    %swap3A = arith.constant 0 : index
    %swap3A_220 = arith.constant 0 : index
    %swap3A_221 = vector.load %arg16[%swap3A, %swap3A_220] : memref<64x128xf32, #tpu.memory_space<vmem>>, vector<64x128xf32>
    tpu.vector_store %arg16[%swap3A, %swap3A_220], %logistic3A_219 {strides = array<i32>} : memref<64x128xf32, #tpu.memory_space<vmem>>, vector<64x128xf32>,
    %slice3A_222 = vector.extract_strided_slice %get3A_17 {offsets = [0, 64], sizes = [4096, 64], strides = [1, 1]} : vector<4096x128xi32> to vector<4096x64xi32>
    %shift_left3A_223 = arith.constant 16 : i32
    %shift_left3A_224 = vector.broadcast %shift_left3A_223 : i32 to vector<4096x64xi32>
    %shift_left3A_225 = arith.shli %slice3A_222, %shift_left3A_224 : vector<4096x64xi32>
    %bitcast_convert_type3A_226 = tpu.bitcast %shift_left3A_225 : vector<4096x64xi32> -> vector<4096x64xf32>
    %convert_element_type3A_227 = arith.truncf %bitcast_convert_type3A_226 : vector<4096x64xf32> to vector<4096x64xbf16>
    %bitcast_convert_type3A_228 = tpu.bitcast %slice3A_222 : vector<4096x64xi32> -> vector<4096x64xf32>
    %convert_element_type3A_229 = arith.truncf %bitcast_convert_type3A_228 : vector<4096x64xf32> to vector<4096x64xbf16>
    %concatenate3A_230 = tpu.concatenate %convert_element_type3A_227, %convert_element_type3A_229 in 1 : vector<4096x64xbf16>, vector<4096x64xbf16> -> vector<4096x128xbf16>
    %dot_general3A_231 = arith.constant dense<0.000000e+00> : vector<64x128xf32>
    %dot_general3A_232 = tpu.matmul %convert_element_type3A_13, %concatenate3A_230, %dot_general3A_231 {dimension_numbers = #tpu.dot_dimension_numbers<[1], [0], [0], [1], [0, 0, 1, 1], [], []>, transpose_lhs_hint = false} : vector<64x4096xbf16>, vector<4096x128xbf16>, vector<64x128xf32> -> vector<64x128xf32>
    %convert_element_type3A_233 = arith.truncf %dot_general3A_232 : vector<64x128xf32> to vector<64x128xbf16>
    %slice3A_234 = vector.extract_strided_slice %get3A_20 {offsets = [0, 0], sizes = [128, 128], strides = [1, 1]} : vector<384x128xbf16> to vector<128x128xbf16>
    %dot_general3A_235 = arith.constant dense<0.000000e+00> : vector<64x128xf32>
    %dot_general3A_236 = tpu.matmul %convert_element_type3A_233, %slice3A_234, %dot_general3A_235 {dimension_numbers = #tpu.dot_dimension_numbers<[1], [0], [0], [1], [0, 0, 1, 1], [], []>, transpose_lhs_hint = false} : vector<64x128xbf16>, vector<128x128xbf16>, vector<64x128xf32> -> vector<64x128xf32>
    %swap3A_237 = arith.constant 0 : index
    %swap3A_238 = arith.constant 0 : index
    %swap3A_239 = vector.load %arg17[%swap3A_237, %swap3A_238] : memref<64x128xf32, #tpu.memory_space<vmem>>, vector<64x128xf32>
    tpu.vector_store %arg17[%swap3A_237, %swap3A_238], %dot_general3A_236 {strides = array<i32>} : memref<64x128xf32, #tpu.memory_space<vmem>>, vector<64x128xf32>,
    return
  }
  func.func @transform_0(%arg0: i32) -> (i32, i32, i32) {
    %add3A = arith.constant 0 : i32
    %add3A_0 = arith.addi %add3A, %arg0 : i32
    %c0_i32 = arith.constant 0 : i32
    %c0_i32_1 = arith.constant 0 : i32
    %c0_i32_2 = arith.constant 0 : i32
    return %add3A_0, %c0_i32, %c0_i32_1 : i32, i32, i32
  }
  func.func @transform_1(%arg0: i32) -> (i32, i32, i32) {
    %add3A = arith.constant 16 : i32
    %add3A_0 = arith.addi %add3A, %arg0 : i32
    %c0_i32 = arith.constant 0 : i32
    %c0_i32_1 = arith.constant 0 : i32
    %c0_i32_2 = arith.constant 0 : i32
    return %add3A_0, %c0_i32, %c0_i32_1 : i32, i32, i32
  }
  func.func @transform_2(%arg0: i32) -> (i32, i32) {
    %add3A = arith.constant 0 : i32
    %add3A_0 = arith.addi %add3A, %arg0 : i32
    %c0_i32 = arith.constant 0 : i32
    %c0_i32_1 = arith.constant 0 : i32
    return %add3A_0, %c0_i32 : i32, i32
  }
  func.func @transform_3(%arg0: i32) -> (i32, i32) {
    %add3A = arith.constant 16 : i32
    %add3A_0 = arith.addi %add3A, %arg0 : i32
    %c0_i32 = arith.constant 0 : i32
    %c0_i32_1 = arith.constant 0 : i32
    return %add3A_0, %c0_i32 : i32, i32
  }
  func.func @transform_4(%arg0: i32) -> (i32, i32) {
    %add3A = arith.constant 32 : i32
    %add3A_0 = arith.addi %add3A, %arg0 : i32
    %c0_i32 = arith.constant 0 : i32
    %c0_i32_1 = arith.constant 0 : i32
    return %add3A_0, %c0_i32 : i32, i32
  }
  func.func @transform_5(%arg0: i32) -> (i32, i32) {
    %c0_i32 = arith.constant 0 : i32
    %c0_i32_0 = arith.constant 0 : i32
    %c0_i32_1 = arith.constant 0 : i32
    return %c0_i32, %c0_i32_0 : i32, i32
  }
  func.func @transform_6(%arg0: i32) -> (i32, i32) {
    %c0_i32 = arith.constant 0 : i32
    %c0_i32_0 = arith.constant 0 : i32
    %c0_i32_1 = arith.constant 0 : i32
    return %c0_i32, %c0_i32_0 : i32, i32
  }
  func.func @transform_7(%arg0: i32) -> (i32, i32) {
    %c0_i32 = arith.constant 0 : i32
    %c0_i32_0 = arith.constant 0 : i32
    %c0_i32_1 = arith.constant 0 : i32
    return %c0_i32, %c0_i32_0 : i32, i32
  }
  func.func @transform_8(%arg0: i32) -> (i32, i32) {
    %c0_i32 = arith.constant 0 : i32
    %c0_i32_0 = arith.constant 0 : i32
    %c0_i32_1 = arith.constant 0 : i32
    return %c0_i32, %c0_i32_0 : i32, i32
  }
  func.func @transform_9(%arg0: i32) -> (i32, i32) {
    %c0_i32 = arith.constant 0 : i32
    %c0_i32_0 = arith.constant 0 : i32
    %c0_i32_1 = arith.constant 0 : i32
    return %c0_i32, %c0_i32_0 : i32, i32
  }
  func.func @transform_10(%arg0: i32) -> (i32, i32) {
    %c0_i32 = arith.constant 0 : i32
    %c0_i32_0 = arith.constant 0 : i32
    %c0_i32_1 = arith.constant 0 : i32
    return %c0_i32, %c0_i32_0 : i32, i32
  }
  func.func @transform_11(%arg0: i32) -> (i32, i32) {
    %c0_i32 = arith.constant 0 : i32
    %c0_i32_0 = arith.constant 0 : i32
    %c0_i32_1 = arith.constant 0 : i32
    return %c0_i32, %c0_i32_0 : i32, i32
  }
  func.func @transform_12(%arg0: i32) -> (i32, i32) {
    %c0_i32 = arith.constant 0 : i32
    %c0_i32_0 = arith.constant 0 : i32
    %c0_i32_1 = arith.constant 0 : i32
    return %c0_i32, %c0_i32_0 : i32, i32
  }
  func.func @transform_13(%arg0: i32) -> (i32, i32) {
    %c0_i32 = arith.constant 0 : i32
    %c0_i32_0 = arith.constant 0 : i32
    %c0_i32_1 = arith.constant 0 : i32
    return %c0_i32, %c0_i32_0 : i32, i32
  }
  func.func @transform_14(%arg0: i32) -> (i32, i32) {
    %c0_i32 = arith.constant 0 : i32
    %c0_i32_0 = arith.constant 0 : i32
    %c0_i32_1 = arith.constant 0 : i32
    return %c0_i32, %c0_i32_0 : i32, i32
  }
  func.func @transform_15(%arg0: i32) -> (i32, i32) {
    %c0_i32 = arith.constant 0 : i32
    %c0_i32_0 = arith.constant 0 : i32
    return %arg0, %c0_i32 : i32, i32
  }
  func.func @transform_16(%arg0: i32) -> (i32, i32) {
    %c0_i32 = arith.constant 0 : i32
    %c0_i32_0 = arith.constant 0 : i32
    return %arg0, %c0_i32 : i32, i32
  }
}

module attributes {stable_mosaic.version = 14 : i64} {
  func.func @_pack_body(%arg0: i32, %arg1: memref<4000x128xf32, #tpu.memory_space<vmem>>, %arg2: memref<4000x64xi32, #tpu.memory_space<vmem>>) attributes {dimension_semantics = [#tpu.dimension_semantics<arbitrary>], iteration_bounds = array<i64: 25>, scalar_prefetch = 0 : i64, scratch_operands = 0 : i64, tpu.core_type = #tpu.core_type<tc>, window_params = [{transform_indices = @transform_0, window_bounds = array<i64: 4000, 128>}, {transform_indices = @transform_1, window_bounds = array<i64: 4000, 64>}]} {
    %get3A = arith.constant 0 : index
    %get3A_0 = arith.constant 0 : index
    %get3A_1 = vector.load %arg1[%get3A, %get3A_0] : memref<4000x128xf32, #tpu.memory_space<vmem>>, vector<4000x128xf32>
    %slice3A = vector.extract_strided_slice %get3A_1 {offsets = [0, 0], sizes = [4000, 64], strides = [1, 1]} : vector<4000x128xf32> to vector<4000x64xf32>
    %bitcast_convert_type3A = tpu.bitcast %slice3A : vector<4000x64xf32> -> vector<4000x64xi32>
    %slice3A_2 = vector.extract_strided_slice %get3A_1 {offsets = [0, 64], sizes = [4000, 64], strides = [1, 1]} : vector<4000x128xf32> to vector<4000x64xf32>
    %bitcast_convert_type3A_3 = tpu.bitcast %slice3A_2 : vector<4000x64xf32> -> vector<4000x64xi32>
    %add3A = arith.constant 32768 : i32
    %add3A_4 = vector.broadcast %add3A : i32 to vector<4000x64xi32>
    %add3A_5 = arith.addi %bitcast_convert_type3A, %add3A_4 : vector<4000x64xi32>
    %shift_right_arithmetic3A = arith.constant 16 : i32
    %shift_right_arithmetic3A_6 = vector.broadcast %shift_right_arithmetic3A : i32 to vector<4000x64xi32>
    %shift_right_arithmetic3A_7 = arith.shrsi %add3A_5, %shift_right_arithmetic3A_6 : vector<4000x64xi32>
    %and3A = arith.constant 65535 : i32
    %and3A_8 = vector.broadcast %and3A : i32 to vector<4000x64xi32>
    %and3A_9 = arith.andi %shift_right_arithmetic3A_7, %and3A_8 : vector<4000x64xi32>
    %add3A_10 = arith.constant 32768 : i32
    %add3A_11 = vector.broadcast %add3A_10 : i32 to vector<4000x64xi32>
    %add3A_12 = arith.addi %bitcast_convert_type3A_3, %add3A_11 : vector<4000x64xi32>
    %and3A_13 = arith.constant -65536 : i32
    %and3A_14 = vector.broadcast %and3A_13 : i32 to vector<4000x64xi32>
    %and3A_15 = arith.andi %add3A_12, %and3A_14 : vector<4000x64xi32>
    %or3A = arith.ori %and3A_15, %and3A_9 : vector<4000x64xi32>
    %swap3A = arith.constant 0 : index
    %swap3A_16 = arith.constant 0 : index
    %swap3A_17 = vector.load %arg2[%swap3A, %swap3A_16] : memref<4000x64xi32, #tpu.memory_space<vmem>>, vector<4000x64xi32>
    tpu.vector_store %arg2[%swap3A, %swap3A_16], %or3A {strides = array<i32>} : memref<4000x64xi32, #tpu.memory_space<vmem>>, vector<4000x64xi32>,
    return
  }
  func.func @transform_0(%arg0: i32) -> (i32, i32) {
    %c0_i32 = arith.constant 0 : i32
    %c0_i32_0 = arith.constant 0 : i32
    return %arg0, %c0_i32 : i32, i32
  }
  func.func @transform_1(%arg0: i32) -> (i32, i32) {
    %c0_i32 = arith.constant 0 : i32
    %c0_i32_0 = arith.constant 0 : i32
    return %arg0, %c0_i32 : i32, i32
  }
}

module attributes {stable_mosaic.version = 14 : i64} {
  func.func @_tc2_body(%arg0: i32, %arg1: memref<1x1x4096xi32, #tpu.memory_space<vmem>>, %arg2: memref<1x1x4096xi32, #tpu.memory_space<vmem>>, %arg3: memref<4096x128xi32, #tpu.memory_space<vmem>>, %arg4: memref<4096x128xi32, #tpu.memory_space<vmem>>, %arg5: memref<64x128xf32, #tpu.memory_space<vmem>>, %arg6: memref<64x128xf32, #tpu.memory_space<vmem>>, %arg7: memref<32x128xbf16, #tpu.memory_space<vmem>>, %arg8: memref<128x128xbf16, #tpu.memory_space<vmem>>, %arg9: memref<128x128xbf16, #tpu.memory_space<vmem>>, %arg10: memref<128x128xbf16, #tpu.memory_space<vmem>>, %arg11: memref<1x128xbf16, #tpu.memory_space<vmem>>, %arg12: memref<1x128xf32, #tpu.memory_space<vmem>>, %arg13: memref<1x128xf32, #tpu.memory_space<vmem>>, %arg14: memref<1x128xf32, #tpu.memory_space<vmem>>, %arg15: memref<384x128xbf16, #tpu.memory_space<vmem>>, %arg16: memref<1x128xf32, #tpu.memory_space<vmem>>, %arg17: memref<1x1x64xf32, #tpu.memory_space<vmem>>) attributes {dimension_semantics = [#tpu.dimension_semantics<arbitrary>], iteration_bounds = array<i64: 16>, scalar_prefetch = 0 : i64, scratch_operands = 0 : i64, tpu.core_type = #tpu.core_type<tc>, window_params = [{transform_indices = @transform_0, window_bounds = array<i64: 1, 1, 4096>}, {transform_indices = @transform_1, window_bounds = array<i64: 1, 1, 4096>}, {transform_indices = @transform_2, window_bounds = array<i64: 4096, 128>}, {transform_indices = @transform_3, window_bounds = array<i64: 4096, 128>}, {transform_indices = @transform_4, window_bounds = array<i64: 64, 128>}, {transform_indices = @transform_5, window_bounds = array<i64: 64, 128>}, {pipeline_mode = #tpu.pipeline_mode<synchronous>, transform_indices = @transform_6, window_bounds = array<i64: 32, 128>}, {pipeline_mode = #tpu.pipeline_mode<synchronous>, transform_indices = @transform_7, window_bounds = array<i64: 128, 128>}, {pipeline_mode = #tpu.pipeline_mode<synchronous>, transform_indices = @transform_8, window_bounds = array<i64: 128, 128>}, {pipeline_mode = #tpu.pipeline_mode<synchronous>, transform_indices = @transform_9, window_bounds = array<i64: 128, 128>}, {pipeline_mode = #tpu.pipeline_mode<synchronous>, transform_indices = @transform_10, window_bounds = array<i64: 1, 128>}, {pipeline_mode = #tpu.pipeline_mode<synchronous>, transform_indices = @transform_11, window_bounds = array<i64: 1, 128>}, {pipeline_mode = #tpu.pipeline_mode<synchronous>, transform_indices = @transform_12, window_bounds = array<i64: 1, 128>}, {pipeline_mode = #tpu.pipeline_mode<synchronous>, transform_indices = @transform_13, window_bounds = array<i64: 1, 128>}, {pipeline_mode = #tpu.pipeline_mode<synchronous>, transform_indices = @transform_14, window_bounds = array<i64: 384, 128>}, {pipeline_mode = #tpu.pipeline_mode<synchronous>, transform_indices = @transform_15, window_bounds = array<i64: 1, 128>}, {transform_indices = @transform_16, window_bounds = array<i64: 1, 1, 64>}]} {
    %get3A = arith.constant 0 : index
    %get3A_0 = arith.constant 0 : index
    %get3A_1 = vector.load %arg7[%get3A, %get3A_0] : memref<32x128xbf16, #tpu.memory_space<vmem>>, vector<32x128xbf16>
    %get3A_2 = arith.constant 0 : index
    %get3A_3 = arith.constant 0 : index
    %get3A_4 = vector.load %arg9[%get3A_2, %get3A_3] : memref<128x128xbf16, #tpu.memory_space<vmem>>, vector<128x128xbf16>
    %dot_general3A = arith.constant dense<0.000000e+00> : vector<32x128xf32>
    %dot_general3A_5 = tpu.matmul %get3A_1, %get3A_4, %dot_general3A {dimension_numbers = #tpu.dot_dimension_numbers<[1], [0], [0], [1], [0, 0, 1, 1], [], []>, transpose_lhs_hint = false} : vector<32x128xbf16>, vector<128x128xbf16>, vector<32x128xf32> -> vector<32x128xf32>
    %convert_element_type3A = arith.truncf %dot_general3A_5 : vector<32x128xf32> to vector<32x128xbf16>
    %iota3A = tpu.iota {dimensions = array<i32: 1>} : vector<64x4096xi32>
    %iota3A_6 = tpu.iota {dimensions = array<i32: 0>} : vector<64x4096xi32>
    %shift_right_arithmetic3A = arith.constant 6 : i32
    %shift_right_arithmetic3A_7 = vector.broadcast %shift_right_arithmetic3A : i32 to vector<64x4096xi32>
    %shift_right_arithmetic3A_8 = arith.shrsi %iota3A, %shift_right_arithmetic3A_7 : vector<64x4096xi32>
    %eq3A = arith.cmpi eq, %shift_right_arithmetic3A_8, %iota3A_6 : vector<64x4096xi32>
    %convert_element_type3A_9 = arith.extui %eq3A : vector<64x4096xi1> to vector<64x4096xi32>
    %convert_element_type3A_10 = arith.sitofp %convert_element_type3A_9 : vector<64x4096xi32> to vector<64x4096xf32>
    %iota3A_11 = tpu.iota {dimensions = array<i32: 0>} : vector<32x4096xi32>
    %get3A_12 = arith.constant 0 : index
    %get3A_13 = arith.constant 0 : index
    %get3A_14 = vector.load %arg6[%get3A_12, %get3A_13] : memref<64x128xf32, #tpu.memory_space<vmem>>, vector<64x128xf32>
    %get3A_15 = arith.constant 0 : index
    %get3A_16 = arith.constant 0 : index
    %get3A_17 = vector.load %arg3[%get3A_15, %get3A_16] : memref<4096x128xi32, #tpu.memory_space<vmem>>, vector<4096x128xi32>
    %get3A_18 = arith.constant 0 : index
    %get3A_19 = arith.constant 0 : index
    %get3A_20 = vector.load %arg4[%get3A_18, %get3A_19] : memref<4096x128xi32, #tpu.memory_space<vmem>>, vector<4096x128xi32>
    %get3A_21 = arith.constant 0 : index
    %get3A_22 = arith.constant 0 : index
    %get3A_23 = vector.load %arg15[%get3A_21, %get3A_22] : memref<384x128xbf16, #tpu.memory_space<vmem>>, vector<384x128xbf16>
    %get3A_24 = arith.constant 0 : index
    %get3A_25 = arith.constant 0 : index
    %get3A_26 = vector.load %arg14[%get3A_24, %get3A_25] : memref<1x128xf32, #tpu.memory_space<vmem>>, vector<1x1xf32>
    %get3A_27 = arith.constant 0 : index
    %get3A_28 = arith.constant 0 : index
    %get3A_29 = arith.constant 0 : index
    %get3A_30 = vector.load %arg1[%get3A_27, %get3A_28, %get3A_29] : memref<1x1x4096xi32, #tpu.memory_space<vmem>>, vector<1x1x4096xi32>
    %reshape3A = vector.shape_cast %get3A_30 : vector<1x1x4096xi32> to vector<1x4096xi32>
    %eq3A_31 = vector.broadcast %reshape3A : vector<1x4096xi32> to vector<32x4096xi32>
    %eq3A_32 = arith.cmpi eq, %iota3A_11, %eq3A_31 : vector<32x4096xi32>
    %convert_element_type3A_33 = arith.extui %eq3A_32 : vector<32x4096xi1> to vector<32x4096xi32>
    %convert_element_type3A_34 = arith.sitofp %convert_element_type3A_33 : vector<32x4096xi32> to vector<32x4096xf32>
    %convert_element_type3A_35 = arith.truncf %convert_element_type3A_34 : vector<32x4096xf32> to vector<32x4096xbf16>
    %dot_general3A_36 = arith.constant dense<0.000000e+00> : vector<4096x128xf32>
    %dot_general3A_37 = tpu.matmul %convert_element_type3A_35, %convert_element_type3A, %dot_general3A_36 {dimension_numbers = #tpu.dot_dimension_numbers<[0], [0], [1], [1], [0, 1, 1, 1], [], []>, transpose_lhs_hint = false} : vector<32x4096xbf16>, vector<32x128xbf16>, vector<4096x128xf32> -> vector<4096x128xf32>
    %slice3A = vector.extract_strided_slice %get3A_17 {offsets = [0, 0], sizes = [4096, 64], strides = [1, 1]} : vector<4096x128xi32> to vector<4096x64xi32>
    %shift_left3A = arith.constant 16 : i32
    %shift_left3A_38 = vector.broadcast %shift_left3A : i32 to vector<4096x64xi32>
    %shift_left3A_39 = arith.shli %slice3A, %shift_left3A_38 : vector<4096x64xi32>
    %bitcast_convert_type3A = tpu.bitcast %shift_left3A_39 : vector<4096x64xi32> -> vector<4096x64xf32>
    %convert_element_type3A_40 = arith.truncf %bitcast_convert_type3A : vector<4096x64xf32> to vector<4096x64xbf16>
    %bitcast_convert_type3A_41 = tpu.bitcast %slice3A : vector<4096x64xi32> -> vector<4096x64xf32>
    %convert_element_type3A_42 = arith.truncf %bitcast_convert_type3A_41 : vector<4096x64xf32> to vector<4096x64xbf16>
    %concatenate3A = tpu.concatenate %convert_element_type3A_40, %convert_element_type3A_42 in 1 : vector<4096x64xbf16>, vector<4096x64xbf16> -> vector<4096x128xbf16>
    %get3A_43 = arith.constant 0 : index
    %get3A_44 = arith.constant 0 : index
    %get3A_45 = vector.load %arg8[%get3A_43, %get3A_44] : memref<128x128xbf16, #tpu.memory_space<vmem>>, vector<128x128xbf16>
    %dot_general3A_46 = arith.constant dense<0.000000e+00> : vector<4096x128xf32>
    %dot_general3A_47 = tpu.matmul %concatenate3A, %get3A_45, %dot_general3A_46 {dimension_numbers = #tpu.dot_dimension_numbers<[1], [0], [0], [1], [0, 0, 1, 1], [], []>, transpose_lhs_hint = false} : vector<4096x128xbf16>, vector<128x128xbf16>, vector<4096x128xf32> -> vector<4096x128xf32>
    %add3A = arith.addf %dot_general3A_47, %dot_general3A_37 : vector<4096x128xf32>
    %get3A_48 = arith.constant 0 : index
    %get3A_49 = arith.constant 0 : index
    %get3A_50 = vector.load %arg12[%get3A_48, %get3A_49] : memref<1x128xf32, #tpu.memory_space<vmem>>, vector<1x128xf32>
    %add3A_51 = vector.broadcast %get3A_50 : vector<1x128xf32> to vector<4096x128xf32>
    %add3A_52 = arith.addf %add3A, %add3A_51 : vector<4096x128xf32>
    %max3A = arith.constant 0.000000e+00 : f32
    %max3A_53 = vector.broadcast %max3A : f32 to vector<4096x128xf32>
    %max3A_54 = arith.maximumf %add3A_52, %max3A_53 : vector<4096x128xf32>
    %convert_element_type3A_55 = arith.truncf %max3A_54 : vector<4096x128xf32> to vector<4096x128xbf16>
    %get3A_56 = arith.constant 0 : index
    %get3A_57 = arith.constant 0 : index
    %get3A_58 = vector.load %arg10[%get3A_56, %get3A_57] : memref<128x128xbf16, #tpu.memory_space<vmem>>, vector<128x128xbf16>
    %dot_general3A_59 = arith.constant dense<0.000000e+00> : vector<4096x128xf32>
    %dot_general3A_60 = tpu.matmul %convert_element_type3A_55, %get3A_58, %dot_general3A_59 {dimension_numbers = #tpu.dot_dimension_numbers<[1], [0], [0], [1], [0, 0, 1, 1], [], []>, transpose_lhs_hint = false} : vector<4096x128xbf16>, vector<128x128xbf16>, vector<4096x128xf32> -> vector<4096x128xf32>
    %get3A_61 = arith.constant 0 : index
    %get3A_62 = arith.constant 0 : index
    %get3A_63 = vector.load %arg13[%get3A_61, %get3A_62] : memref<1x128xf32, #tpu.memory_space<vmem>>, vector<1x128xf32>
    %add3A_64 = vector.broadcast %get3A_63 : vector<1x128xf32> to vector<4096x128xf32>
    %add3A_65 = arith.addf %dot_general3A_60, %add3A_64 : vector<4096x128xf32>
    %max3A_66 = arith.constant 0.000000e+00 : f32
    %max3A_67 = vector.broadcast %max3A_66 : f32 to vector<4096x128xf32>
    %max3A_68 = arith.maximumf %add3A_65, %max3A_67 : vector<4096x128xf32>
    %convert_element_type3A_69 = arith.truncf %max3A_68 : vector<4096x128xf32> to vector<4096x128xbf16>
    %get3A_70 = arith.constant 0 : index
    %get3A_71 = arith.constant 0 : index
    %get3A_72 = vector.load %arg11[%get3A_70, %get3A_71] : memref<1x128xbf16, #tpu.memory_space<vmem>>, vector<1x128xbf16>
    %dot_general3A_73 = arith.constant dense<0.000000e+00> : vector<1x4096xf32>
    %dot_general3A_74 = tpu.matmul %get3A_72, %convert_element_type3A_69, %dot_general3A_73 {dimension_numbers = #tpu.dot_dimension_numbers<[1], [1], [0], [0], [0, 0, 1, 0], [], []>, transpose_lhs_hint = false} : vector<1x128xbf16>, vector<4096x128xbf16>, vector<1x4096xf32> -> vector<1x4096xf32>
    %add3A_75 = vector.broadcast %get3A_26 : vector<1x1xf32> to vector<1x4096xf32>
    %add3A_76 = arith.addf %dot_general3A_74, %add3A_75 : vector<1x4096xf32>
    %logistic3A = arith.negf %add3A_76 : vector<1x4096xf32>
    %logistic3A_77 = math.exp %logistic3A : vector<1x4096xf32>
    %logistic3A_78 = arith.constant 1.000000e+00 : f32
    %logistic3A_79 = vector.broadcast %logistic3A_78 : f32 to vector<1x4096xf32>
    %logistic3A_80 = arith.addf %logistic3A_79, %logistic3A_77 : vector<1x4096xf32>
    %logistic3A_81 = arith.divf %logistic3A_79, %logistic3A_80 : vector<1x4096xf32>
    %exp3A = math.exp %logistic3A_81 : vector<1x4096xf32>
    %mul3A = vector.broadcast %exp3A : vector<1x4096xf32> to vector<64x4096xf32>
    %mul3A_82 = arith.mulf %convert_element_type3A_10, %mul3A : vector<64x4096xf32>
    %convert_element_type3A_83 = arith.truncf %mul3A_82 : vector<64x4096xf32> to vector<64x4096xbf16>
    %slice3A_84 = vector.extract_strided_slice %get3A_17 {offsets = [0, 64], sizes = [4096, 64], strides = [1, 1]} : vector<4096x128xi32> to vector<4096x64xi32>
    %shift_left3A_85 = arith.constant 16 : i32
    %shift_left3A_86 = vector.broadcast %shift_left3A_85 : i32 to vector<4096x64xi32>
    %shift_left3A_87 = arith.shli %slice3A_84, %shift_left3A_86 : vector<4096x64xi32>
    %bitcast_convert_type3A_88 = tpu.bitcast %shift_left3A_87 : vector<4096x64xi32> -> vector<4096x64xf32>
    %convert_element_type3A_89 = arith.truncf %bitcast_convert_type3A_88 : vector<4096x64xf32> to vector<4096x64xbf16>
    %bitcast_convert_type3A_90 = tpu.bitcast %slice3A_84 : vector<4096x64xi32> -> vector<4096x64xf32>
    %convert_element_type3A_91 = arith.truncf %bitcast_convert_type3A_90 : vector<4096x64xf32> to vector<4096x64xbf16>
    %concatenate3A_92 = tpu.concatenate %convert_element_type3A_89, %convert_element_type3A_91 in 1 : vector<4096x64xbf16>, vector<4096x64xbf16> -> vector<4096x128xbf16>
    %dot_general3A_93 = arith.constant dense<0.000000e+00> : vector<64x128xf32>
    %dot_general3A_94 = tpu.matmul %convert_element_type3A_83, %concatenate3A_92, %dot_general3A_93 {dimension_numbers = #tpu.dot_dimension_numbers<[1], [0], [0], [1], [0, 0, 1, 1], [], []>, transpose_lhs_hint = false} : vector<64x4096xbf16>, vector<4096x128xbf16>, vector<64x128xf32> -> vector<64x128xf32>
    %reduce_sum3A = arith.constant dense<0.000000e+00> : vector<64xf32>
    %reduce_sum3A_95 = vector.multi_reduction <add>, %mul3A_82, %reduce_sum3A [1] : vector<64x4096xf32> to vector<64xf32>
    %broadcast_in_dim3A = vector.shape_cast %reduce_sum3A_95 : vector<64xf32> to vector<64x1xf32>
    %div3A = vector.broadcast %broadcast_in_dim3A : vector<64x1xf32> to vector<64x128xf32>
    %div3A_96 = arith.divf %dot_general3A_94, %div3A : vector<64x128xf32>
    %convert_element_type3A_97 = arith.truncf %div3A_96 : vector<64x128xf32> to vector<64x128xbf16>
    %slice3A_98 = vector.extract_strided_slice %get3A_23 {offsets = [128, 0], sizes = [128, 128], strides = [1, 1]} : vector<384x128xbf16> to vector<128x128xbf16>
    %dot_general3A_99 = arith.constant dense<0.000000e+00> : vector<64x128xf32>
    %dot_general3A_100 = tpu.matmul %convert_element_type3A_97, %slice3A_98, %dot_general3A_99 {dimension_numbers = #tpu.dot_dimension_numbers<[1], [0], [0], [1], [0, 0, 1, 1], [], []>, transpose_lhs_hint = false} : vector<64x128xbf16>, vector<128x128xbf16>, vector<64x128xf32> -> vector<64x128xf32>
    %add3A_101 = arith.addf %get3A_14, %dot_general3A_100 : vector<64x128xf32>
    %get3A_102 = arith.constant 0 : index
    %get3A_103 = arith.constant 0 : index
    %get3A_104 = arith.constant 0 : index
    %get3A_105 = vector.load %arg2[%get3A_102, %get3A_103, %get3A_104] : memref<1x1x4096xi32, #tpu.memory_space<vmem>>, vector<1x1x4096xi32>
    %reshape3A_106 = vector.shape_cast %get3A_105 : vector<1x1x4096xi32> to vector<1x4096xi32>
    %eq3A_107 = vector.broadcast %reshape3A_106 : vector<1x4096xi32> to vector<32x4096xi32>
    %eq3A_108 = arith.cmpi eq, %iota3A_11, %eq3A_107 : vector<32x4096xi32>
    %convert_element_type3A_109 = arith.extui %eq3A_108 : vector<32x4096xi1> to vector<32x4096xi32>
    %convert_element_type3A_110 = arith.sitofp %convert_element_type3A_109 : vector<32x4096xi32> to vector<32x4096xf32>
    %convert_element_type3A_111 = arith.truncf %convert_element_type3A_110 : vector<32x4096xf32> to vector<32x4096xbf16>
    %dot_general3A_112 = arith.constant dense<0.000000e+00> : vector<4096x128xf32>
    %dot_general3A_113 = tpu.matmul %convert_element_type3A_111, %convert_element_type3A, %dot_general3A_112 {dimension_numbers = #tpu.dot_dimension_numbers<[0], [0], [1], [1], [0, 1, 1, 1], [], []>, transpose_lhs_hint = false} : vector<32x4096xbf16>, vector<32x128xbf16>, vector<4096x128xf32> -> vector<4096x128xf32>
    %slice3A_114 = vector.extract_strided_slice %get3A_20 {offsets = [0, 0], sizes = [4096, 64], strides = [1, 1]} : vector<4096x128xi32> to vector<4096x64xi32>
    %shift_left3A_115 = arith.constant 16 : i32
    %shift_left3A_116 = vector.broadcast %shift_left3A_115 : i32 to vector<4096x64xi32>
    %shift_left3A_117 = arith.shli %slice3A_114, %shift_left3A_116 : vector<4096x64xi32>
    %bitcast_convert_type3A_118 = tpu.bitcast %shift_left3A_117 : vector<4096x64xi32> -> vector<4096x64xf32>
    %convert_element_type3A_119 = arith.truncf %bitcast_convert_type3A_118 : vector<4096x64xf32> to vector<4096x64xbf16>
    %bitcast_convert_type3A_120 = tpu.bitcast %slice3A_114 : vector<4096x64xi32> -> vector<4096x64xf32>
    %convert_element_type3A_121 = arith.truncf %bitcast_convert_type3A_120 : vector<4096x64xf32> to vector<4096x64xbf16>
    %concatenate3A_122 = tpu.concatenate %convert_element_type3A_119, %convert_element_type3A_121 in 1 : vector<4096x64xbf16>, vector<4096x64xbf16> -> vector<4096x128xbf16>
    %get3A_123 = arith.constant 0 : index
    %get3A_124 = arith.constant 0 : index
    %get3A_125 = vector.load %arg8[%get3A_123, %get3A_124] : memref<128x128xbf16, #tpu.memory_space<vmem>>, vector<128x128xbf16>
    %dot_general3A_126 = arith.constant dense<0.000000e+00> : vector<4096x128xf32>
    %dot_general3A_127 = tpu.matmul %concatenate3A_122, %get3A_125, %dot_general3A_126 {dimension_numbers = #tpu.dot_dimension_numbers<[1], [0], [0], [1], [0, 0, 1, 1], [], []>, transpose_lhs_hint = false} : vector<4096x128xbf16>, vector<128x128xbf16>, vector<4096x128xf32> -> vector<4096x128xf32>
    %add3A_128 = arith.addf %dot_general3A_127, %dot_general3A_113 : vector<4096x128xf32>
    %get3A_129 = arith.constant 0 : index
    %get3A_130 = arith.constant 0 : index
    %get3A_131 = vector.load %arg12[%get3A_129, %get3A_130] : memref<1x128xf32, #tpu.memory_space<vmem>>, vector<1x128xf32>
    %add3A_132 = vector.broadcast %get3A_131 : vector<1x128xf32> to vector<4096x128xf32>
    %add3A_133 = arith.addf %add3A_128, %add3A_132 : vector<4096x128xf32>
    %max3A_134 = arith.constant 0.000000e+00 : f32
    %max3A_135 = vector.broadcast %max3A_134 : f32 to vector<4096x128xf32>
    %max3A_136 = arith.maximumf %add3A_133, %max3A_135 : vector<4096x128xf32>
    %convert_element_type3A_137 = arith.truncf %max3A_136 : vector<4096x128xf32> to vector<4096x128xbf16>
    %get3A_138 = arith.constant 0 : index
    %get3A_139 = arith.constant 0 : index
    %get3A_140 = vector.load %arg10[%get3A_138, %get3A_139] : memref<128x128xbf16, #tpu.memory_space<vmem>>, vector<128x128xbf16>
    %dot_general3A_141 = arith.constant dense<0.000000e+00> : vector<4096x128xf32>
    %dot_general3A_142 = tpu.matmul %convert_element_type3A_137, %get3A_140, %dot_general3A_141 {dimension_numbers = #tpu.dot_dimension_numbers<[1], [0], [0], [1], [0, 0, 1, 1], [], []>, transpose_lhs_hint = false} : vector<4096x128xbf16>, vector<128x128xbf16>, vector<4096x128xf32> -> vector<4096x128xf32>
    %get3A_143 = arith.constant 0 : index
    %get3A_144 = arith.constant 0 : index
    %get3A_145 = vector.load %arg13[%get3A_143, %get3A_144] : memref<1x128xf32, #tpu.memory_space<vmem>>, vector<1x128xf32>
    %add3A_146 = vector.broadcast %get3A_145 : vector<1x128xf32> to vector<4096x128xf32>
    %add3A_147 = arith.addf %dot_general3A_142, %add3A_146 : vector<4096x128xf32>
    %max3A_148 = arith.constant 0.000000e+00 : f32
    %max3A_149 = vector.broadcast %max3A_148 : f32 to vector<4096x128xf32>
    %max3A_150 = arith.maximumf %add3A_147, %max3A_149 : vector<4096x128xf32>
    %convert_element_type3A_151 = arith.truncf %max3A_150 : vector<4096x128xf32> to vector<4096x128xbf16>
    %get3A_152 = arith.constant 0 : index
    %get3A_153 = arith.constant 0 : index
    %get3A_154 = vector.load %arg11[%get3A_152, %get3A_153] : memref<1x128xbf16, #tpu.memory_space<vmem>>, vector<1x128xbf16>
    %dot_general3A_155 = arith.constant dense<0.000000e+00> : vector<1x4096xf32>
    %dot_general3A_156 = tpu.matmul %get3A_154, %convert_element_type3A_151, %dot_general3A_155 {dimension_numbers = #tpu.dot_dimension_numbers<[1], [1], [0], [0], [0, 0, 1, 0], [], []>, transpose_lhs_hint = false} : vector<1x128xbf16>, vector<4096x128xbf16>, vector<1x4096xf32> -> vector<1x4096xf32>
    %add3A_157 = vector.broadcast %get3A_26 : vector<1x1xf32> to vector<1x4096xf32>
    %add3A_158 = arith.addf %dot_general3A_156, %add3A_157 : vector<1x4096xf32>
    %logistic3A_159 = arith.negf %add3A_158 : vector<1x4096xf32>
    %logistic3A_160 = math.exp %logistic3A_159 : vector<1x4096xf32>
    %logistic3A_161 = arith.constant 1.000000e+00 : f32
    %logistic3A_162 = vector.broadcast %logistic3A_161 : f32 to vector<1x4096xf32>
    %logistic3A_163 = arith.addf %logistic3A_162, %logistic3A_160 : vector<1x4096xf32>
    %logistic3A_164 = arith.divf %logistic3A_162, %logistic3A_163 : vector<1x4096xf32>
    %exp3A_165 = math.exp %logistic3A_164 : vector<1x4096xf32>
    %mul3A_166 = vector.broadcast %exp3A_165 : vector<1x4096xf32> to vector<64x4096xf32>
    %mul3A_167 = arith.mulf %convert_element_type3A_10, %mul3A_166 : vector<64x4096xf32>
    %convert_element_type3A_168 = arith.truncf %mul3A_167 : vector<64x4096xf32> to vector<64x4096xbf16>
    %slice3A_169 = vector.extract_strided_slice %get3A_20 {offsets = [0, 64], sizes = [4096, 64], strides = [1, 1]} : vector<4096x128xi32> to vector<4096x64xi32>
    %shift_left3A_170 = arith.constant 16 : i32
    %shift_left3A_171 = vector.broadcast %shift_left3A_170 : i32 to vector<4096x64xi32>
    %shift_left3A_172 = arith.shli %slice3A_169, %shift_left3A_171 : vector<4096x64xi32>
    %bitcast_convert_type3A_173 = tpu.bitcast %shift_left3A_172 : vector<4096x64xi32> -> vector<4096x64xf32>
    %convert_element_type3A_174 = arith.truncf %bitcast_convert_type3A_173 : vector<4096x64xf32> to vector<4096x64xbf16>
    %bitcast_convert_type3A_175 = tpu.bitcast %slice3A_169 : vector<4096x64xi32> -> vector<4096x64xf32>
    %convert_element_type3A_176 = arith.truncf %bitcast_convert_type3A_175 : vector<4096x64xf32> to vector<4096x64xbf16>
    %concatenate3A_177 = tpu.concatenate %convert_element_type3A_174, %convert_element_type3A_176 in 1 : vector<4096x64xbf16>, vector<4096x64xbf16> -> vector<4096x128xbf16>
    %dot_general3A_178 = arith.constant dense<0.000000e+00> : vector<64x128xf32>
    %dot_general3A_179 = tpu.matmul %convert_element_type3A_168, %concatenate3A_177, %dot_general3A_178 {dimension_numbers = #tpu.dot_dimension_numbers<[1], [0], [0], [1], [0, 0, 1, 1], [], []>, transpose_lhs_hint = false} : vector<64x4096xbf16>, vector<4096x128xbf16>, vector<64x128xf32> -> vector<64x128xf32>
    %reduce_sum3A_180 = arith.constant dense<0.000000e+00> : vector<64xf32>
    %reduce_sum3A_181 = vector.multi_reduction <add>, %mul3A_167, %reduce_sum3A_180 [1] : vector<64x4096xf32> to vector<64xf32>
    %broadcast_in_dim3A_182 = vector.shape_cast %reduce_sum3A_181 : vector<64xf32> to vector<64x1xf32>
    %div3A_183 = vector.broadcast %broadcast_in_dim3A_182 : vector<64x1xf32> to vector<64x128xf32>
    %div3A_184 = arith.divf %dot_general3A_179, %div3A_183 : vector<64x128xf32>
    %convert_element_type3A_185 = arith.truncf %div3A_184 : vector<64x128xf32> to vector<64x128xbf16>
    %slice3A_186 = vector.extract_strided_slice %get3A_23 {offsets = [256, 0], sizes = [128, 128], strides = [1, 1]} : vector<384x128xbf16> to vector<128x128xbf16>
    %dot_general3A_187 = arith.constant dense<0.000000e+00> : vector<64x128xf32>
    %dot_general3A_188 = tpu.matmul %convert_element_type3A_185, %slice3A_186, %dot_general3A_187 {dimension_numbers = #tpu.dot_dimension_numbers<[1], [0], [0], [1], [0, 0, 1, 1], [], []>, transpose_lhs_hint = false} : vector<64x128xbf16>, vector<128x128xbf16>, vector<64x128xf32> -> vector<64x128xf32>
    %add3A_189 = arith.addf %add3A_101, %dot_general3A_188 : vector<64x128xf32>
    %get3A_190 = arith.constant 0 : index
    %get3A_191 = arith.constant 0 : index
    %get3A_192 = vector.load %arg16[%get3A_190, %get3A_191] : memref<1x128xf32, #tpu.memory_space<vmem>>, vector<1x128xf32>
    %add3A_193 = vector.broadcast %get3A_192 : vector<1x128xf32> to vector<64x128xf32>
    %add3A_194 = arith.addf %add3A_189, %add3A_193 : vector<64x128xf32>
    %logistic3A_195 = arith.negf %add3A_194 : vector<64x128xf32>
    %logistic3A_196 = math.exp %logistic3A_195 : vector<64x128xf32>
    %logistic3A_197 = arith.constant 1.000000e+00 : f32
    %logistic3A_198 = vector.broadcast %logistic3A_197 : f32 to vector<64x128xf32>
    %logistic3A_199 = arith.addf %logistic3A_198, %logistic3A_196 : vector<64x128xf32>
    %logistic3A_200 = arith.divf %logistic3A_198, %logistic3A_199 : vector<64x128xf32>
    %get3A_201 = arith.constant 0 : index
    %get3A_202 = arith.constant 0 : index
    %get3A_203 = vector.load %arg5[%get3A_201, %get3A_202] : memref<64x128xf32, #tpu.memory_space<vmem>>, vector<64x128xf32>
    %mul3A_204 = arith.mulf %get3A_203, %logistic3A_200 : vector<64x128xf32>
    %broadcast_in_dim3A_205 = arith.constant 1.000000e+00 : f32
    %broadcast_in_dim3A_206 = vector.broadcast %broadcast_in_dim3A_205 : f32 to vector<1x128xf32>
    %dot_general3A_207 = arith.constant dense<0.000000e+00> : vector<1x64xf32>
    %dot_general3A_208 = tpu.matmul %broadcast_in_dim3A_206, %mul3A_204, %dot_general3A_207 {dimension_numbers = #tpu.dot_dimension_numbers<[1], [1], [0], [0], [0, 0, 1, 0], [], []>, transpose_lhs_hint = false} : vector<1x128xf32>, vector<64x128xf32>, vector<1x64xf32> -> vector<1x64xf32>
    %logistic3A_209 = arith.negf %dot_general3A_208 : vector<1x64xf32>
    %logistic3A_210 = math.exp %logistic3A_209 : vector<1x64xf32>
    %logistic3A_211 = arith.constant 1.000000e+00 : f32
    %logistic3A_212 = vector.broadcast %logistic3A_211 : f32 to vector<1x64xf32>
    %logistic3A_213 = arith.addf %logistic3A_212, %logistic3A_210 : vector<1x64xf32>
    %logistic3A_214 = arith.divf %logistic3A_212, %logistic3A_213 : vector<1x64xf32>
    %swap3A = arith.constant 0 : index
    %swap3A_215 = arith.constant 0 : index
    %swap3A_216 = arith.constant 0 : index
    %swap3A_217 = vector.load %arg17[%swap3A, %swap3A_215, %swap3A_216] : memref<1x1x64xf32, #tpu.memory_space<vmem>>, vector<1x1x64xf32>
    %swap3A_218 = vector.shape_cast %swap3A_217 : vector<1x1x64xf32> to vector<1x64xf32>
    %swap3A_219 = vector.shape_cast %logistic3A_214 : vector<1x64xf32> to vector<1x1x64xf32>
    tpu.vector_store %arg17[%swap3A, %swap3A_215, %swap3A_216], %swap3A_219 {strides = array<i32>} : memref<1x1x64xf32, #tpu.memory_space<vmem>>, vector<1x1x64xf32>,
    return
  }
  func.func @transform_0(%arg0: i32) -> (i32, i32, i32) {
    %add3A = arith.constant 0 : i32
    %add3A_0 = arith.addi %add3A, %arg0 : i32
    %c0_i32 = arith.constant 0 : i32
    %c0_i32_1 = arith.constant 0 : i32
    %c0_i32_2 = arith.constant 0 : i32
    return %add3A_0, %c0_i32, %c0_i32_1 : i32, i32, i32
  }
  func.func @transform_1(%arg0: i32) -> (i32, i32, i32) {
    %add3A = arith.constant 16 : i32
    %add3A_0 = arith.addi %add3A, %arg0 : i32
    %c0_i32 = arith.constant 0 : i32
    %c0_i32_1 = arith.constant 0 : i32
    %c0_i32_2 = arith.constant 0 : i32
    return %add3A_0, %c0_i32, %c0_i32_1 : i32, i32, i32
  }
  func.func @transform_2(%arg0: i32) -> (i32, i32) {
    %add3A = arith.constant 0 : i32
    %add3A_0 = arith.addi %add3A, %arg0 : i32
    %c0_i32 = arith.constant 0 : i32
    %c0_i32_1 = arith.constant 0 : i32
    return %add3A_0, %c0_i32 : i32, i32
  }
  func.func @transform_3(%arg0: i32) -> (i32, i32) {
    %add3A = arith.constant 16 : i32
    %add3A_0 = arith.addi %add3A, %arg0 : i32
    %c0_i32 = arith.constant 0 : i32
    %c0_i32_1 = arith.constant 0 : i32
    return %add3A_0, %c0_i32 : i32, i32
  }
  func.func @transform_4(%arg0: i32) -> (i32, i32) {
    %c0_i32 = arith.constant 0 : i32
    %c0_i32_0 = arith.constant 0 : i32
    return %arg0, %c0_i32 : i32, i32
  }
  func.func @transform_5(%arg0: i32) -> (i32, i32) {
    %c0_i32 = arith.constant 0 : i32
    %c0_i32_0 = arith.constant 0 : i32
    return %arg0, %c0_i32 : i32, i32
  }
  func.func @transform_6(%arg0: i32) -> (i32, i32) {
    %c0_i32 = arith.constant 0 : i32
    %c0_i32_0 = arith.constant 0 : i32
    %c0_i32_1 = arith.constant 0 : i32
    return %c0_i32, %c0_i32_0 : i32, i32
  }
  func.func @transform_7(%arg0: i32) -> (i32, i32) {
    %c0_i32 = arith.constant 0 : i32
    %c0_i32_0 = arith.constant 0 : i32
    %c0_i32_1 = arith.constant 0 : i32
    return %c0_i32, %c0_i32_0 : i32, i32
  }
  func.func @transform_8(%arg0: i32) -> (i32, i32) {
    %c0_i32 = arith.constant 0 : i32
    %c0_i32_0 = arith.constant 0 : i32
    %c0_i32_1 = arith.constant 0 : i32
    return %c0_i32, %c0_i32_0 : i32, i32
  }
  func.func @transform_9(%arg0: i32) -> (i32, i32) {
    %c0_i32 = arith.constant 0 : i32
    %c0_i32_0 = arith.constant 0 : i32
    %c0_i32_1 = arith.constant 0 : i32
    return %c0_i32, %c0_i32_0 : i32, i32
  }
  func.func @transform_10(%arg0: i32) -> (i32, i32) {
    %c0_i32 = arith.constant 0 : i32
    %c0_i32_0 = arith.constant 0 : i32
    %c0_i32_1 = arith.constant 0 : i32
    return %c0_i32, %c0_i32_0 : i32, i32
  }
  func.func @transform_11(%arg0: i32) -> (i32, i32) {
    %c0_i32 = arith.constant 0 : i32
    %c0_i32_0 = arith.constant 0 : i32
    %c0_i32_1 = arith.constant 0 : i32
    return %c0_i32, %c0_i32_0 : i32, i32
  }
  func.func @transform_12(%arg0: i32) -> (i32, i32) {
    %c0_i32 = arith.constant 0 : i32
    %c0_i32_0 = arith.constant 0 : i32
    %c0_i32_1 = arith.constant 0 : i32
    return %c0_i32, %c0_i32_0 : i32, i32
  }
  func.func @transform_13(%arg0: i32) -> (i32, i32) {
    %c0_i32 = arith.constant 0 : i32
    %c0_i32_0 = arith.constant 0 : i32
    %c0_i32_1 = arith.constant 0 : i32
    return %c0_i32, %c0_i32_0 : i32, i32
  }
  func.func @transform_14(%arg0: i32) -> (i32, i32) {
    %c0_i32 = arith.constant 0 : i32
    %c0_i32_0 = arith.constant 0 : i32
    %c0_i32_1 = arith.constant 0 : i32
    return %c0_i32, %c0_i32_0 : i32, i32
  }
  func.func @transform_15(%arg0: i32) -> (i32, i32) {
    %c0_i32 = arith.constant 0 : i32
    %c0_i32_0 = arith.constant 0 : i32
    %c0_i32_1 = arith.constant 0 : i32
    return %c0_i32, %c0_i32_0 : i32, i32
  }
  func.func @transform_16(%arg0: i32) -> (i32, i32, i32) {
    %c0_i32 = arith.constant 0 : i32
    %c0_i32_0 = arith.constant 0 : i32
    %c0_i32_1 = arith.constant 0 : i32
    return %arg0, %c0_i32, %c0_i32_0 : i32, i32, i32
  }
}

</mosaic_0001>

<sc_bundles>
// kernel: kernel.10.cloned.1.call-start
scs
__scs_entry_jumppad:
0x0: {  	(pc) =	sbr.rel $0x88, $3  }
0x1: {  	(tag) =	ssettag $0x0;
	lr =	simm.s32 $0x1  }
0x2: {  	[smem:$0x3F8F] =	sst lr;
	_ =	strace $0xD0000000  }
0x3: {  	_ = 	snop  }
0x4: {  	_ = 	snop  }
0x5: {  	_ = 	snop  }
0x6: {  	_ = 	snop  }
0x7: {  	_ = 	snop  }
__scs_overlays_trampoline_lowered:
0x8: {  	[smem:$0x3F9E] =	sst s0  }
0x9: {  	[smem:$0x3F9F] =	sst s1  }
0xa: {  	[smem:$0x3FA0] =	sst s2  }
0xb: {  	[smem:$0x3FA1] =	sst s3  }
0xc: {  	[smem:$0x3FA2] =	sst s4  }
0xd: {  	[smem:$0x3FA3] =	sst s5  }
0xe: {  	[smem:$0x3FA4] =	sst s6  }
0xf: {  	[smem:$0x3FA5] =	sst s7  }
0x10: {  	[smem:$0x3FA6] =	sst s8  }
0x11: {  	[smem:$0x3FA7] =	sst s9;
	s0 =	simm.s32 @!p0 $0x0  }
0x12: {  	s1 =	sld [smem:$0x3F8D];
	s0 =	simm.s32 @p0 $0x1  }
0x13: {  	[smem:$0x3FA8] =	sst s0;
	s0 =	simm.s32 @!p1 $0x0  }
0x14: {  	s2 =	sld [smem:$0x3F8C];
	s0 =	simm.s32 @p1 $0x1  }
0x15: {  	[smem:$0x3FA9] =	sst s0;
	s0 =	simm.s32 @!p2 $0x0  }
0x16: {  	s3 =	sld [smem:$0x3FDB];
	s0 =	simm.s32 @p2 $0x1  }
0x17: {  	s4 =	simm.s32 $0x1BF5;
	[smem:$0x3FAB] =	sst s0  }
0x18: {  	s0 =	sld [smem:$0x3F8E];
	_ =	swait.ge [sflag:s4], $0x0  }
0x19: {  	s7 =	sld [smem:$0x3F8F]  }
0x1a: {  	s8 =	sadd.s32 $0xFFFFE003, lr  }
0x1b: {  	s9 =	sadd.s32 $0xFFFFFEF7, lr;
	s5 =	simm.s32 $0xFFFFFFFF;
	p2 =	slt.u32 s8, $0xFFFFF086  }
0x1c: {  	p1 =	slt.u32 s9, $0xF7A;
	s5 =	simm.s32 @!p2 $0x0  }
0x1d: {  	s5 =	simm.s32 @p1 $0x1;
	p0 =	seq.s32 s7, s2  }
0x1e: {  	s7 =	smul.u32 @!p0 $0xF7A, s2;
	p2 =	seq.s32 @!p0 s5, $0x0  }
0x1f: {  	s9 =	smul.u32 $0xF7A, s1;
	s8 =	simm.s32 @!p0 $0x1BF5;
	p2 =	por !p2, p0  }
0x20: {  	[sflag:s8] =	ssyncset.s32 @!p0 $0xFFFFF086;
	s6 =	sadd.s32 @!p0 s3, s7;
	s7 =	simm.s32 @!p0 $0x108  }
0x21: {  	s3 =	sadd.s32 s3, s9;
	s6 =	sadd.s32 @!p0 $0x88, s6;
	s7 =	simm.s32 @p2 $0x1082  }
0x22: {  	[simem:s7], [sflag:s8] =	dma.local @!p0 [hbm:s6], $0xF7A  }
0x23: {  	s9 =	sor.u32 $0xD0000000, s2;
	s6 =	simm.s32 $0x108;
	_ =	swait.ge @!p0 [sflag:s8], $0x0  }
0x24: {  	s3 =	sadd.s32 $0x88, s3;
	s6 =	simm.s32 @!p1 $0x1082;
	[sflag:s4] =	ssyncset.s32 $0xFFFFF086  }
0x25: {  	[simem:s6], [sflag:s4] =	dma.local [hbm:s3], $0xF7A  }
0x26: {  	[smem:$0x3F8F] =	sst s1;
	(tag) =	ssettag s2;
	_ =	strace s9  }
0x27: {  	s1 =	sld [smem:$0x3F9F]  }
0x28: {  	s2 =	sld [smem:$0x3FA0]  }
0x29: {  	s4 =	sld [smem:$0x3FA2]  }
0x2a: {  	p0 =	seq.s32 s5, $0x0;
	s5 =	sld [smem:$0x3FA3]  }
0x2b: {  	s6 =	sld [smem:$0x3FA4]  }
0x2c: {  	s7 =	sld [smem:$0x3FA5]  }
0x2d: {  	s3 =	simm.s32 $0x108;
	s8 =	sld [smem:$0x3FA6]  }
0x2e: {  	s3 =	simm.s32 @!p0 $0x1082;
	s9 =	sld [smem:$0x3FA7]  }
0x2f: {  	lr =	sadd.s32 s0, s3;
	s0 =	sld [smem:$0x3F9E]  }
0x30: {  	s3 =	sld [smem:$0x3FA1]  }
0x31: {  	[smem:$0x3FAA] =	sst s10  }
0x32: {  	s10 =	sld [smem:$0x3FA8];
	_ =	sdelay $0x3  }
0x33: {  	p0 =	seq.s32 s10, $0x1;
	s10 =	sld [smem:$0x3FAA];
	_ =	sdelay $0x3  }
0x34: {  	[smem:$0x3FAA] =	sst s10  }
0x35: {  	s10 =	sld [smem:$0x3FA9];
	_ =	sdelay $0x3  }
0x36: {  	p1 =	seq.s32 s10, $0x1;
	s10 =	sld [smem:$0x3FAA];
	_ =	sdelay $0x3  }
0x37: {  	[smem:$0x3FAA] =	sst s10  }
0x38: {  	s10 =	sld [smem:$0x3FAB]  }
0x39: {  	_ = 	snop;
	(pc) =	sbr.ind lr, $3  }
0x3a: {  	_ = 	snop  }
0x3b: {  	_ = 	snop  }
0x3c: {  	p2 =	seq.s32 s10, $0x1;
	s10 =	sld [smem:$0x3FAA]  }
0x3d: {  	_ =	shalt  }
0x3e: {  	_ =	shalt  }
0x3f: {  	_ =	shalt  }
0x40: {  	_ =	shalt  }
0x41: {  	_ =	shalt  }
0x42: {  	_ =	shalt  }
0x43: {  	_ =	shalt  }
0x44: {  	_ =	shalt  }
0x45: {  	_ =	shalt  }
0x46: {  	_ =	shalt  }
0x47: {  	_ =	shalt  }
0x48: {  	_ =	shalt  }
0x49: {  	_ =	shalt  }
0x4a: {  	_ =	shalt  }
0x4b: {  	_ =	shalt  }
0x4c: {  	_ =	shalt  }
0x4d: {  	_ =	shalt  }
0x4e: {  	_ =	shalt  }
0x4f: {  	_ =	shalt  }
0x50: {  	_ =	shalt  }
0x51: {  	_ =	shalt  }
0x52: {  	_ =	shalt  }
0x53: {  	_ =	shalt  }
0x54: {  	_ =	shalt  }
0x55: {  	_ =	shalt  }
0x56: {  	_ =	shalt  }
0x57: {  	_ =	shalt  }
0x58: {  	_ =	shalt  }
0x59: {  	_ =	shalt  }
0x5a: {  	_ =	shalt  }
0x5b: {  	_ =	shalt  }
0x5c: {  	_ =	shalt  }
0x5d: {  	_ =	shalt  }
0x5e: {  	_ =	shalt  }
0x5f: {  	_ =	shalt  }
0x60: {  	_ =	shalt  }
0x61: {  	_ =	shalt  }
0x62: {  	_ =	shalt  }
0x63: {  	_ =	shalt  }
0x64: {  	_ =	shalt  }
0x65: {  	_ =	shalt  }
0x66: {  	_ =	shalt  }
0x67: {  	_ =	shalt  }
0x68: {  	_ =	shalt  }
0x69: {  	_ =	shalt  }
0x6a: {  	_ =	shalt  }
0x6b: {  	_ =	shalt  }
0x6c: {  	_ =	shalt  }
0x6d: {  	_ =	shalt  }
0x6e: {  	_ =	shalt  }
0x6f: {  	_ =	shalt  }
0x70: {  	_ =	shalt  }
0x71: {  	_ =	shalt  }
0x72: {  	_ =	shalt  }
0x73: {  	_ =	shalt  }
0x74: {  	_ =	shalt  }
0x75: {  	_ =	shalt  }
0x76: {  	_ =	shalt  }
0x77: {  	_ =	shalt  }
0x78: {  	_ =	shalt  }
0x79: {  	_ =	shalt  }
0x7a: {  	_ =	shalt  }
0x7b: {  	_ =	shalt  }
0x7c: {  	_ =	shalt  }
0x7d: {  	_ =	shalt  }
0x7e: {  	_ =	shalt  }
0x7f: {  	_ =	shalt  }
0x80: {  	_ =	shalt  }
0x81: {  	_ =	shalt  }
0x82: {  	_ =	shalt  }
0x83: {  	_ =	shalt  }
0x84: {  	_ =	shalt  }
0x85: {  	_ =	shalt  }
0x86: {  	_ =	shalt  }
0x87: {  	_ =	shalt  }
.Lfunc_end0:
.L_simem_size_0:
called_computation.1_lowered:
.L_overlay_start_0:
0x88: {  	s2 =	sld [smem:$0x3FD9]  }
0x89: {  	s3 =	sld [smem:$0x3FFE];
	_ =	sdelay $0x1  }
0x8a: {  	s1 =	srdreg.scid  }
0x8b: {  	s0 =	sand.u32 $0x1, s1  }
0x8c: {  	s17 =	sshll.u32 s0, $0xA;
	s2 =	sadd.s32 s3, s2  }
0x8d: {  	s2 =	sadd.s32 s2, s17  }
0x8e: {  	[smem:$0x3FB6] =	sst s2  }
0x8f: {  	_ = 	snop  }
0x90: {  	(tm) =	ssettm $0x1  }
0x91: {  	s18 =	sld [smem:$0x3FFB];
	_ =	sdelay $0x3  }
0x92: {  	_ =	strace s18  }
0x93: {  	s2 =	sld [smem:$0x3FFC];
	_ =	sdelay $0x3  }
0x94: {  	_ =	strace s2  }
0x95: {  	s2 =	sld [smem:$0x3FFD];
	_ =	sdelay $0x3  }
0x96: {  	_ =	strace s2  }
0x97: {  	_ =	strace $0x8FFFFFFF  }
0x98: {  	s19 =	sld [smem:$0x3FDB];
	_ =	sdelay $0x1  }
0x99: {  	s20 =	simm.s32 $_scs_section_size  }
0x9a: {  	s4 =	simm.s32 $_size__tile_overlayer_lowered;
	s5 =	simm.s32 $_tile_overlayer_lowered  }
0x9b: {  	s6 =	simm.s32 $0x1BFF;
	s21 =	sshll.u32 s5, $0x1;
	s3 =	sadd.s32 s20, s19  }
0x9c: {  	s22 =	simm.s32 $0x0;
	s4 =	sshll.u32 s4, $0x1;
	s5 =	sadd.s32 s21, s3  }
0x9d: {  	[timem:s22], [sflag:s6] =	dma.local [hbm:s5], s4  }
0x9e: {  	_ =	swait.ge [sflag:s6], s4  }
0x9f: {  	s4 =	ssub.s32 $0x0, s4;
	[sflag:s6] =	ssyncset.done $0x0  }
0xa0: {  	[sflag:s6] =	ssyncadd.s32 s4;
	_ =	sdelay $0x1  }
0xa1: {  	s23 =	simm.s32 $0x1B8B  }
0xa2: {  	_ =	swait.ge [sflag:s23], $0x1  }
0xa3: {  	[sflag:s23] =	ssyncset.done $0x0  }
0xa4: {  	[sflag:s23] =	ssyncadd.s32 $0xFFFFFFFF  }
0xa5: {  	s4 =	sld [smem:$0x0]  }
0xa6: {  	s5 =	sand.u32 $0xFFFFFFFE, s1  }
0xa7: {  	p0 =	sne.s32 s1, s5  }
0xa8: {  	s5 =	sshll.u32 @p0 s5, $0xE  }
0xa9: {  	s5 =	sadd.s32 @p0 $0x11B8D, s5;
	s6 =	sshll.u32 @p0 s4, $0x11  }
0xaa: {  	s5 =	sor.u32 @p0 s6, s5  }
0xab: {  	[sflag:s5] =	ssyncadd.remote.s32 @p0 $0x1;
	_ =	sdelay $0x1  }
0xac: {  	s5 =	simm.s32 @p0 $0x1B8D  }
0xad: {  	_ =	swait.eq @p0 [sflag:s5], $0x1  }
0xae: {  	[sflag:s5] =	ssyncadd.s32 @p0 $0xFFFFFFFF  }
0xaf: {  	s6 =	sshll.u32 @!p0 s1, $0xE  }
0xb0: {  	s6 =	sor.u32 @!p0 $0x4000, s6;
	s5 =	simm.s32 @!p0 $0x1B8D  }
0xb1: {  	s4 =	sshll.u32 @!p0 s4, $0x11;
	s6 =	sadd.s32 @!p0 $0x11B8D, s6;
	_ =	swait.eq @!p0 [sflag:s5], $0x1  }
0xb2: {  	s4 =	sor.u32 @!p0 s4, s6;
	[sflag:s5] =	ssyncadd.s32 @!p0 $0xFFFFFFFF  }
0xb3: {  	s25 =	simm.s32 $0x1B8E;
	s24 =	sld [smem:$0x3FFE];
	[sflag:s4] =	ssyncadd.remote.s32 @!p0 $0x1  }
0xb4: {  	s26 =	simm.s32 $execute0_lowered;
	[smem:$0x3FD2] =	sst s25  }
0xb5: {  	s5 =	sshll.u32 s26, $0x1;
	_ =	strace $0x80000049;
	[dreg:$0x1] =	wrdreg $0xFFFFFFFF  }
0xb6: {  	s28 =	simm.s32 $_size_execute0_lowered;
	s3 =	sadd.s32 s3, s5;
	[dreg:$0x0] =	wrdreg $0x0  }
0xb7: {  	s5 =	sshll.u32 s28, $0x1;
	[dreg:$0x2] =	wrdreg s3  }
0xb8: {  	[dreg:$0x3] =	wrdreg s5  }
0xb9: {  	[dreg:$0x4] =	wrdreg $0xC0  }
0xba: {  	_ =	task [dreg:s22], $0x5FFFF  }
0xbb: {  	[dreg:$0x1] =	wrdreg $0xFFFFFFFF  }
0xbc: {  	[dreg:$0x0] =	wrdreg $0x60  }
0xbd: {  	[dreg:$0x2] =	wrdreg s24  }
0xbe: {  	[dreg:$0x3] =	wrdreg $0xA  }
0xbf: {  	_ =	task.clear_ibuf [dreg:s22], $0x4FFFF;
	_ =	strace $0x90000049  }
0xc0: {  	s29 =	simm.s32 $0xA;
	_ =	strace $0x8000004B  }
0xc1: {  	_ =	swait.ge [sflag:s29], $0x1  }
0xc2: {  	[sflag:s29] =	ssyncadd.s32 $0xFFFFFFFF  }
0xc3: {  	_ =	strace $0x9000004B  }
0xc4: {  	_ =	sfence  }
0xc5: {  	s30 =	sld [smem:$0x0];
	_ =	sdelay $0x2  }
0xc6: {  	s31 =	sshll.u32 s1, $0xD;
	s1 =	sshrl.u32 s1, $0x2  }
0xc7: {  	s4 =	sand.u32 $0x4000, s31;
	s1 =	sadd.s32 s1, s30  }
0xc8: {  	s0 =	sor.u32 s4, s0;
	s1 =	sshll.u32 s1, $0x11  }
0xc9: {  	s0 =	sor.u32 s1, s0  }
0xca: {  	s0 =	sadd.s32 $0x8F2B, s0  }
0xcb: {  	[sflag:s0] =	ssyncadd.remote.s32 $0x1  }
0xcc: {  	_ =	sfence.sel $0xFFFF  }
0xcd: {  	[dreg:$0x0] =	wrdreg $0xFFFFFFFF;
	(pc) =	sbr.abs _section_cstart, $3  }
0xce: {  	[dreg:$0x1] =	wrdreg $0xFFFFFFFF  }
0xcf: {  	_ =	task.clear_ibuf [dreg:s22], $0x2FFFF;
	_ =	strace $0x9FFFFFFF  }
0xd0: {  	(tm) =	ssettm $0x7FFFFFFF  }
0xd1: {  	_ =	shalt  }
tec
execute0_lowered:
.L_overlay_start_1:
0x0: {  	(tag) =	ssettag $0x1  }
0x1: {  	s0 =	rddreg [dreg:$0x0];
	s1 =	simm.s32 $0x0;
	s2 =	srdreg.scid  }
0x2: {  	s14 =	stileid.u32;
	s17 =	simm.s32 $0x5;
	s18 =	simm.s32 $0x200  }
0x3: {  	s19 =	simm.s32 $0x100;
	s28 =	simm.s32 $0x4400;
	s29 =	simm.s32 $0xC400  }
0x4: {  	s30 =	simm.s32 $0x3;
	s31 =	simm.s32 $0x4;
	[smem:$0x7FF] =	sst s1  }
0x5: {  	s3 =	sadd.s32 $0x189200, s0;
	s2 =	sand.u32 $0x1, s2;
	s4 =	sadd.s32 $0x12800, s0  }
0x6: {  	s6 =	sshll.u32 s14, $0xD;
	s5 =	sadd.s32 $0xE800, s0;
	s20 =	sadd.s32 $0x54C800, s0  }
0x7: {  	s0 =	sadd.s32 $0x54C808, s0;
	s25 =	sshll.u32 s14, $0x11;
	s7 =	sshll.u32 s2, $0xC  }
0x8: {  	_ =	strace $0x8000004A;
	s8 =	ssub.s32 $0x2, s2;
	s6 =	sor.u32 s7, s6  }
0x9: {  	s2 =	sshll.u32 s2, $0x10;
	s9 =	sshrl.u32 s8, $0x1;
	s10 =	sshrl.u32 s6, $0x3  }
0xa: {  	s8 =	ssub.s32 s8, s9;
	s23 =	sshll.u32 s6, $0x4;
	s12 =	sor.u32 $0x100, s6  }
0xb: {  	s26 =	sor.u32 $0x300, s6;
	s6 =	sor.u32 $0x200, s6;
	s21 =	sadd.s32 s4, s10  }
0xc: {  	s22 =	sadd.s32 s5, s10;
	s24 =	sadd.s32 s20, s23;
	s9 =	sadd.s32 s23, s0  }
0xd: {  	s11 =	sshrl.u32 s12, $0x3;
	s13 =	sshll.u32 s12, $0x4;
	[dreg:$0x3] =	wrdreg s21  }
0xe: {  	s14 =	smax.u32 s8, $0x1;
	s15 =	sshrl.u32 s26, $0x3;
	[dreg:$0x4] =	wrdreg s22  }
0xf: {  	s16 =	sshrl.u32 s6, $0x3;
	s23 =	simm.s32 $0x2;
	[dreg:$0x5] =	wrdreg s24  }
0x10: {  	s26 =	simm.s32 $0x300;
	[dreg:$0x6] =	wrdreg s9;
	s10 =	sadd.s32 s4, s11  }
0x11: {  	s11 =	sadd.s32 s5, s11;
	s12 =	sadd.s32 s20, s13;
	s13 =	sadd.s32 s13, s0  }
0x12: {  	s0 =	sadd.s32 s25, s20;
	s20 =	simm.s32 $0x400;
	s21 =	simm.s32 $0x8400  }
0x13: {  	s22 =	simm.s32 $0x1;
	s24 =	simm.s32 $0x40;
	s0 =	sadd.s32 s2, s0  }
0x14: {  	s25 =	simm.s32 $0x80;
	[dreg:$0x2] =	wrdreg s0;
	s0 =	simm.s32 $0x0  }
.LBB2_1:
0x15: {  	s2 =	rddreg [dreg:$0x3]  }
0x16: {  	[tilespmem:s1], [sflag:$0x5] =	stream.linear.gather [hbm4b:s2+s1], $0x100, $0x38;
	[tilespmem:$0x10400] =	vst v63  }
0x17: {  	_ =	swait.ge [sflag:s17], $0x100  }
0x18: {  	[sflag:s17] =	ssyncset.done $0x0  }
0x19: {  	s7 =	rddreg [dreg:$0x4];
	[sflag:s17] =	ssyncadd.s32 $0xFFFFFF00  }
0x1a: {  	[tilespmem:s18], [sflag:$0x5] =	stream.linear.gather [hbm4b:s7+s1], $0x100, $0x38;
	[tilespmem:$0x10400] =	vst v63  }
0x1b: {  	_ =	swait.ge [sflag:s17], $0x100  }
0x1c: {  	[sflag:s17] =	ssyncset.done $0x0  }
0x1d: {  	[sflag:s17] =	ssyncadd.s32 $0xFFFFFF00  }
0x1e: {  	[tilespmem:s20], [sflag:$0x1] =	stream.indirect.gather [hbm4b:s3+s19], $0x40, s1, s19, $0xb8;
	[tilespmem:$0x10400] =	vst v63  }
0x1f: {  	_ = 	snop  }
0x20: {  	[tilespmem:s21], [sflag:$0x2] =	stream.indirect.gather [hbm4b:s3+s19], $0x40, s18, s19, $0xb8;
	[tilespmem:$0x10400] =	vst v63  }
0x21: {  	_ =	swait.ge [sflag:s22], $0x4000  }
0x22: {  	[sflag:s22] =	ssyncset.done $0x0  }
0x23: {  	[sflag:s22] =	ssyncadd.s32 $0xFFFFC000  }
0x24: {  	_ =	swait.ge [sflag:s23], $0x4000  }
0x25: {  	[sflag:s23] =	ssyncset.done $0x0  }
0x26: {  	s8 =	rddreg [dreg:$0x5];
	[sflag:s23] =	ssyncadd.s32 $0xFFFFC000  }
0x27: {  	[hbm4b:s8+s24] =	stream.strided.scatter [tilespmem:s20], [sflag:$0x3], $0x4000, s25, s24, $0x38;
	[tilespmem:$0x10400] =	vst v63  }
0x28: {  	s9 =	rddreg [dreg:$0x6]  }
0x29: {  	[hbm4b:s9+s24] =	stream.strided.scatter [tilespmem:s21], [sflag:$0x3], $0x4000, s25, s24, $0x38;
	[tilespmem:$0x10400] =	vst v63  }
0x2a: {  	_ = 	snop  }
0x2b: {  	[tilespmem:s19], [sflag:$0x5] =	stream.linear.gather [hbm4b:s10+s1], $0x100, $0x38;
	[tilespmem:$0x10400] =	vst v63  }
0x2c: {  	_ =	swait.ge [sflag:s17], $0x100  }
0x2d: {  	[sflag:s17] =	ssyncset.done $0x0  }
0x2e: {  	[sflag:s17] =	ssyncadd.s32 $0xFFFFFF00  }
0x2f: {  	[tilespmem:s26], [sflag:$0x5] =	stream.linear.gather [hbm4b:s11+s1], $0x100, $0x38;
	[tilespmem:$0x10400] =	vst v63  }
0x30: {  	_ =	swait.ge [sflag:s17], $0x100  }
0x31: {  	[sflag:s17] =	ssyncset.done $0x0  }
0x32: {  	[sflag:s17] =	ssyncadd.s32 $0xFFFFFF00  }
0x33: {  	[tilespmem:s28], [sflag:$0x1] =	stream.indirect.gather [hbm4b:s3+s19], $0x40, s19, s19, $0xb8;
	[tilespmem:$0x10400] =	vst v63  }
0x34: {  	_ = 	snop  }
0x35: {  	[tilespmem:s29], [sflag:$0x2] =	stream.indirect.gather [hbm4b:s3+s19], $0x40, s26, s19, $0xb8;
	[tilespmem:$0x10400] =	vst v63  }
0x36: {  	_ =	swait.ge [sflag:s22], $0x4000  }
0x37: {  	[sflag:s22] =	ssyncset.done $0x0  }
0x38: {  	[sflag:s22] =	ssyncadd.s32 $0xFFFFC000  }
0x39: {  	_ =	swait.ge [sflag:s23], $0x4000  }
0x3a: {  	[sflag:s23] =	ssyncset.done $0x0  }
0x3b: {  	[sflag:s23] =	ssyncadd.s32 $0xFFFFC000  }
0x3c: {  	[hbm4b:s12+s24] =	stream.strided.scatter [tilespmem:s28], [sflag:$0x4], $0x4000, s25, s24, $0x38;
	[tilespmem:$0x10400] =	vst v63  }
0x3d: {  	_ = 	snop  }
0x3e: {  	[hbm4b:s13+s24] =	stream.strided.scatter [tilespmem:s29], [sflag:$0x4], $0x4000, s25, s24, $0x38;
	[tilespmem:$0x10400] =	vst v63  }
0x3f: {  	s6 =	sadd.s32 s4, s16  }
0x40: {  	[tilespmem:s1], [sflag:$0x5] =	stream.linear.gather [hbm4b:s6+s1], $0x100, $0x38;
	[tilespmem:$0x10400] =	vst v63  }
0x41: {  	_ =	swait.ge [sflag:s17], $0x100  }
0x42: {  	[sflag:s17] =	ssyncset.done $0x0  }
0x43: {  	s7 =	sadd.s32 s5, s16;
	[sflag:s17] =	ssyncadd.s32 $0xFFFFFF00  }
0x44: {  	[tilespmem:s18], [sflag:$0x5] =	stream.linear.gather [hbm4b:s7+s1], $0x100, $0x38;
	[tilespmem:$0x10400] =	vst v63  }
0x45: {  	_ =	swait.ge [sflag:s17], $0x100  }
0x46: {  	[sflag:s17] =	ssyncset.done $0x0  }
0x47: {  	[sflag:s17] =	ssyncadd.s32 $0xFFFFFF00  }
0x48: {  	_ =	swait.ge [sflag:s30], $0x4000  }
0x49: {  	[sflag:s30] =	ssyncset.done $0x0  }
0x4a: {  	[sflag:s30] =	ssyncadd.s32 $0xFFFFC000  }
0x4b: {  	_ =	swait.ge [sflag:s30], $0x4000  }
0x4c: {  	[sflag:s30] =	ssyncset.done $0x0  }
0x4d: {  	[sflag:s30] =	ssyncadd.s32 $0xFFFFC000  }
0x4e: {  	[tilespmem:s20], [sflag:$0x1] =	stream.indirect.gather [hbm4b:s3+s19], $0x40, s1, s19, $0xb8;
	[tilespmem:$0x10400] =	vst v63  }
0x4f: {  	_ = 	snop  }
0x50: {  	[tilespmem:s21], [sflag:$0x2] =	stream.indirect.gather [hbm4b:s3+s19], $0x40, s18, s19, $0xb8;
	[tilespmem:$0x10400] =	vst v63  }
0x51: {  	_ =	swait.ge [sflag:s22], $0x4000  }
0x52: {  	[sflag:s22] =	ssyncset.done $0x0  }
0x53: {  	[sflag:s22] =	ssyncadd.s32 $0xFFFFC000  }
0x54: {  	_ =	swait.ge [sflag:s23], $0x4000  }
0x55: {  	s8 =	rddreg [dreg:$0x2]  }
0x56: {  	[sflag:s23] =	ssyncset.done $0x0;
	s6 =	sadd.s32 $0x0, s8  }
0x57: {  	[sflag:s23] =	ssyncadd.s32 $0xFFFFC000;
	s2 =	sadd.s32 $0x2000, s6  }
0x58: {  	[hbm4b:s2+s24] =	stream.strided.scatter [tilespmem:s20], [sflag:$0x3], $0x4000, s25, s24, $0x38;
	[tilespmem:$0x10400] =	vst v63  }
0x59: {  	s9 =	sadd.s32 $0x2008, s6  }
0x5a: {  	[hbm4b:s9+s24] =	stream.strided.scatter [tilespmem:s21], [sflag:$0x3], $0x4000, s25, s24, $0x38;
	[tilespmem:$0x10400] =	vst v63  }
0x5b: {  	s7 =	sadd.s32 s4, s15  }
0x5c: {  	[tilespmem:s19], [sflag:$0x5] =	stream.linear.gather [hbm4b:s7+s1], $0x100, $0x38;
	[tilespmem:$0x10400] =	vst v63  }
0x5d: {  	_ =	swait.ge [sflag:s17], $0x100  }
0x5e: {  	[sflag:s17] =	ssyncset.done $0x0  }
0x5f: {  	s8 =	sadd.s32 s5, s15;
	[sflag:s17] =	ssyncadd.s32 $0xFFFFFF00  }
0x60: {  	[tilespmem:s26], [sflag:$0x5] =	stream.linear.gather [hbm4b:s8+s1], $0x100, $0x38;
	[tilespmem:$0x10400] =	vst v63  }
0x61: {  	_ =	swait.ge [sflag:s17], $0x100  }
0x62: {  	[sflag:s17] =	ssyncset.done $0x0  }
0x63: {  	[sflag:s17] =	ssyncadd.s32 $0xFFFFFF00  }
0x64: {  	_ =	swait.ge [sflag:s31], $0x4000  }
0x65: {  	[sflag:s31] =	ssyncset.done $0x0  }
0x66: {  	[sflag:s31] =	ssyncadd.s32 $0xFFFFC000  }
0x67: {  	_ =	swait.ge [sflag:s31], $0x4000  }
0x68: {  	[sflag:s31] =	ssyncset.done $0x0  }
0x69: {  	[sflag:s31] =	ssyncadd.s32 $0xFFFFC000  }
0x6a: {  	[tilespmem:s28], [sflag:$0x1] =	stream.indirect.gather [hbm4b:s3+s19], $0x40, s19, s19, $0xb8;
	[tilespmem:$0x10400] =	vst v63  }
0x6b: {  	_ = 	snop  }
0x6c: {  	[tilespmem:s29], [sflag:$0x2] =	stream.indirect.gather [hbm4b:s3+s19], $0x40, s26, s19, $0xb8;
	[tilespmem:$0x10400] =	vst v63  }
0x6d: {  	_ =	swait.ge [sflag:s22], $0x4000  }
0x6e: {  	[sflag:s22] =	ssyncset.done $0x0  }
0x6f: {  	[sflag:s22] =	ssyncadd.s32 $0xFFFFC000  }
0x70: {  	s2 =	simm.s32 $0x2000;
	_ =	swait.ge [sflag:s23], $0x4000  }
0x71: {  	s9 =	sadd.s32 $0x3000, s6;
	s7 =	sadd.s32 $0x40, s4;
	[sflag:s23] =	ssyncset.done $0x0  }
0x72: {  	s8 =	sadd.s32 $0x3008, s6;
	s6 =	sadd.s32 $0x40, s5;
	[sflag:s23] =	ssyncadd.s32 $0xFFFFC000  }
0x73: {  	[hbm4b:s9+s24] =	stream.strided.scatter [tilespmem:s28], [sflag:$0x4], $0x4000, s25, s24, $0x38;
	[tilespmem:$0x10400] =	vst v63  }
.LBB2_2:
0x74: {  	[hbm4b:s8+s24] =	stream.strided.scatter [tilespmem:s29], [sflag:$0x4], $0x4000, s25, s24, $0x38;
	[tilespmem:$0x10400] =	vst v63  }
0x75: {  	s9 =	sadd.s32 s7, s16  }
0x76: {  	[tilespmem:s1], [sflag:$0x5] =	stream.linear.gather [hbm4b:s9+s1], $0x100, $0x38;
	[tilespmem:$0x10400] =	vst v63  }
0x77: {  	_ =	swait.ge [sflag:s17], $0x100  }
0x78: {  	[sflag:s17] =	ssyncset.done $0x0  }
0x79: {  	s9 =	sadd.s32 s6, s16;
	[sflag:s17] =	ssyncadd.s32 $0xFFFFFF00  }
0x7a: {  	[tilespmem:s18], [sflag:$0x5] =	stream.linear.gather [hbm4b:s9+s1], $0x100, $0x38;
	[tilespmem:$0x10400] =	vst v63  }
0x7b: {  	_ =	swait.ge [sflag:s17], $0x100  }
0x7c: {  	[sflag:s17] =	ssyncset.done $0x0  }
0x7d: {  	[sflag:s17] =	ssyncadd.s32 $0xFFFFFF00  }
0x7e: {  	_ =	swait.ge [sflag:s30], $0x4000  }
0x7f: {  	[sflag:s30] =	ssyncset.done $0x0  }
0x80: {  	[sflag:s30] =	ssyncadd.s32 $0xFFFFC000  }
0x81: {  	_ =	swait.ge [sflag:s30], $0x4000  }
0x82: {  	[sflag:s30] =	ssyncset.done $0x0  }
0x83: {  	[sflag:s30] =	ssyncadd.s32 $0xFFFFC000  }
0x84: {  	[tilespmem:s20], [sflag:$0x1] =	stream.indirect.gather [hbm4b:s3+s19], $0x40, s1, s19, $0xb8;
	[tilespmem:$0x10400] =	vst v63  }
0x85: {  	_ = 	snop  }
0x86: {  	[tilespmem:s21], [sflag:$0x2] =	stream.indirect.gather [hbm4b:s3+s19], $0x40, s18, s19, $0xb8;
	[tilespmem:$0x10400] =	vst v63  }
0x87: {  	_ =	swait.ge [sflag:s22], $0x4000  }
0x88: {  	[sflag:s22] =	ssyncset.done $0x0  }
0x89: {  	[sflag:s22] =	ssyncadd.s32 $0xFFFFC000  }
0x8a: {  	_ =	swait.ge [sflag:s23], $0x4000  }
0x8b: {  	s8 =	smov.u32 s2;
	s9 =	rddreg [dreg:$0x2]  }
0x8c: {  	[sflag:s23] =	ssyncset.done $0x0;
	s8 =	sadd.s32 s8, s9  }
0x8d: {  	[sflag:s23] =	ssyncadd.s32 $0xFFFFC000;
	s9 =	sadd.s32 $0x2000, s8  }
0x8e: {  	[hbm4b:s9+s24] =	stream.strided.scatter [tilespmem:s20], [sflag:$0x3], $0x4000, s25, s24, $0x38;
	[tilespmem:$0x10400] =	vst v63  }
0x8f: {  	s9 =	sadd.s32 $0x2008, s8  }
0x90: {  	[hbm4b:s9+s24] =	stream.strided.scatter [tilespmem:s21], [sflag:$0x3], $0x4000, s25, s24, $0x38;
	[tilespmem:$0x10400] =	vst v63  }
0x91: {  	s9 =	sadd.s32 s7, s15  }
0x92: {  	[tilespmem:s19], [sflag:$0x5] =	stream.linear.gather [hbm4b:s9+s1], $0x100, $0x38;
	[tilespmem:$0x10400] =	vst v63  }
0x93: {  	_ =	swait.ge [sflag:s17], $0x100  }
0x94: {  	[sflag:s17] =	ssyncset.done $0x0  }
0x95: {  	s9 =	sadd.s32 s6, s15;
	[sflag:s17] =	ssyncadd.s32 $0xFFFFFF00  }
0x96: {  	[tilespmem:s26], [sflag:$0x5] =	stream.linear.gather [hbm4b:s9+s1], $0x100, $0x38;
	[tilespmem:$0x10400] =	vst v63  }
0x97: {  	_ =	swait.ge [sflag:s17], $0x100  }
0x98: {  	[sflag:s17] =	ssyncset.done $0x0  }
0x99: {  	[sflag:s17] =	ssyncadd.s32 $0xFFFFFF00  }
0x9a: {  	_ =	swait.ge [sflag:s31], $0x4000  }
0x9b: {  	[sflag:s31] =	ssyncset.done $0x0  }
0x9c: {  	[sflag:s31] =	ssyncadd.s32 $0xFFFFC000  }
0x9d: {  	_ =	swait.ge [sflag:s31], $0x4000  }
0x9e: {  	[sflag:s31] =	ssyncset.done $0x0  }
0x9f: {  	[sflag:s31] =	ssyncadd.s32 $0xFFFFC000  }
0xa0: {  	[tilespmem:s28], [sflag:$0x1] =	stream.indirect.gather [hbm4b:s3+s19], $0x40, s19, s19, $0xb8;
	[tilespmem:$0x10400] =	vst v63  }
0xa1: {  	_ = 	snop  }
0xa2: {  	[tilespmem:s29], [sflag:$0x2] =	stream.indirect.gather [hbm4b:s3+s19], $0x40, s26, s19, $0xb8;
	[tilespmem:$0x10400] =	vst v63  }
0xa3: {  	_ =	swait.ge [sflag:s22], $0x4000  }
0xa4: {  	p0 =	sne.s32 s2, $0xC000;
	[sflag:s22] =	ssyncset.done $0x0  }
.Ltmp0:
0xa5: {  	[sflag:s22] =	ssyncadd.s32 $0xFFFFC000;
	(pc) =	sbr.rel @p0 .LBB2_2-.Ltmp0, $4  }
0xa6: {  	s2 =	sadd.s32 $0x2000, s2;
	_ =	swait.ge [sflag:s23], $0x4000  }
0xa7: {  	s7 =	sadd.s32 $0x40, s7;
	s6 =	sadd.s32 $0x40, s6;
	[sflag:s23] =	ssyncset.done $0x0  }
0xa8: {  	s9 =	sadd.s32 $0x3000, s8;
	s8 =	sadd.s32 $0x3008, s8;
	[sflag:s23] =	ssyncadd.s32 $0xFFFFC000  }
0xa9: {  	[hbm4b:s9+s24] =	stream.strided.scatter [tilespmem:s28], [sflag:$0x4], $0x4000, s25, s24, $0x38;
	[tilespmem:$0x10400] =	vst v63  }
0xaa: {  	[hbm4b:s8+s24] =	stream.strided.scatter [tilespmem:s29], [sflag:$0x4], $0x4000, s25, s24, $0x38;
	[tilespmem:$0x10400] =	vst v63  }
0xab: {  	_ =	swait.ge [sflag:s30], $0x4000  }
0xac: {  	[sflag:s30] =	ssyncset.done $0x0  }
0xad: {  	[sflag:s30] =	ssyncadd.s32 $0xFFFFC000  }
0xae: {  	_ =	swait.ge [sflag:s30], $0x4000  }
0xaf: {  	[sflag:s30] =	ssyncset.done $0x0  }
0xb0: {  	s0 =	sadd.s32 $0x1, s0;
	[sflag:s30] =	ssyncadd.s32 $0xFFFFC000  }
0xb1: {  	p0 =	sne.s32 s0, s14;
	_ =	swait.ge [sflag:s31], $0x4000  }
.Ltmp1:
0xb2: {  	[sflag:s31] =	ssyncset.done $0x0;
	(pc) =	sbr.rel @p0 .LBB2_1-.Ltmp1, $4  }
0xb3: {  	[sflag:s31] =	ssyncadd.s32 $0xFFFFC000  }
0xb4: {  	_ =	swait.ge [sflag:s31], $0x4000  }
0xb5: {  	[sflag:s31] =	ssyncset.done $0x0  }
0xb6: {  	[sflag:s31] =	ssyncadd.s32 $0xFFFFC000  }
0xb7: {  	_ =	sfence.sel $0x180000  }
0xb8: {  	[bflag:$0x0] =	sbarrier.arrive $0xFFFF  }
0xb9: {  	_ =	strace $0x9000004A  }
0xba: {  	s0 =	stileid.u32;
	[bflag:$0x2] =	sbarrier.arrive $0xFFFF  }
0xbb: {  	p0 =	sne.s32 s0, $0x0;
	s0 =	rddreg [dreg:$0x1]  }
0xbc: {  	s0 =	sadd.s32 @!p0 $0x100000, s0  }
0xbd: {  	[sflag:s0] =	ssyncadd.tile.s32 @!p0 $0x1;
	_ =	shalt  }
.Lfunc_end2:
_tile_overlayer_lowered:
.L_overlay_start_2:
0xbe: {  	(tag) =	ssettag $0x2  }
0xbf: {  	s0 =	rddreg [dreg:$0x0];
	s2 =	stileid.u32  }
0xc0: {  	s1 =	rddreg [dreg:$0x1];
	p0 =	sne.s32 s2, $0x0  }
0xc1: {  	s3 =	rddreg [dreg:$0x2];
	[bflag:$0x3] =	sbarrier.arrive $0xFFFF;
	s2 =	simm.s32 @!p0 $0x1C05  }
0xc2: {  	[timem:s3], [sflag:s2] =	dma.local @!p0 [hbm:s0], s1  }
0xc3: {  	s0 =	simm.s32 @!p0 $0x5  }
0xc4: {  	_ =	swait.ge @!p0 [sflag:s0], s1  }
0xc5: {  	s1 =	ssub.s32 @!p0 $0x0, s1;
	[sflag:s0] =	ssyncset.done @!p0 $0x0  }
0xc6: {  	[sflag:s0] =	ssyncadd.s32 @!p0 s1  }
0xc7: {  	[bflag:$0x3] =	sbarrier.arrive $0xFFFF  }
0xc8: {  	_ =	shalt  }

// kernel: kernel.7.cloned.1.call-start
scs
__scs_entry_jumppad:
0x0: {  	(pc) =	sbr.rel $0x88, $3  }
0x1: {  	(tag) =	ssettag $0x0;
	lr =	simm.s32 $0x1  }
0x2: {  	[smem:$0x3F8F] =	sst lr;
	_ =	strace $0xD0000000  }
0x3: {  	_ = 	snop  }
0x4: {  	_ = 	snop  }
0x5: {  	_ = 	snop  }
0x6: {  	_ = 	snop  }
0x7: {  	_ = 	snop  }
__scs_overlays_trampoline_lowered:
0x8: {  	[smem:$0x3F9E] =	sst s0  }
0x9: {  	[smem:$0x3F9F] =	sst s1  }
0xa: {  	[smem:$0x3FA0] =	sst s2  }
0xb: {  	[smem:$0x3FA1] =	sst s3  }
0xc: {  	[smem:$0x3FA2] =	sst s4  }
0xd: {  	[smem:$0x3FA3] =	sst s5  }
0xe: {  	[smem:$0x3FA4] =	sst s6  }
0xf: {  	[smem:$0x3FA5] =	sst s7  }
0x10: {  	[smem:$0x3FA6] =	sst s8  }
0x11: {  	[smem:$0x3FA7] =	sst s9;
	s0 =	simm.s32 @!p0 $0x0  }
0x12: {  	s1 =	sld [smem:$0x3F8D];
	s0 =	simm.s32 @p0 $0x1  }
0x13: {  	[smem:$0x3FA8] =	sst s0;
	s0 =	simm.s32 @!p1 $0x0  }
0x14: {  	s2 =	sld [smem:$0x3F8C];
	s0 =	simm.s32 @p1 $0x1  }
0x15: {  	[smem:$0x3FA9] =	sst s0;
	s0 =	simm.s32 @!p2 $0x0  }
0x16: {  	s3 =	sld [smem:$0x3FDB];
	s0 =	simm.s32 @p2 $0x1  }
0x17: {  	s4 =	simm.s32 $0x1BF5;
	[smem:$0x3FAB] =	sst s0  }
0x18: {  	s0 =	sld [smem:$0x3F8E];
	_ =	swait.ge [sflag:s4], $0x0  }
0x19: {  	s7 =	sld [smem:$0x3F8F]  }
0x1a: {  	s8 =	sadd.s32 $0xFFFFE003, lr  }
0x1b: {  	s9 =	sadd.s32 $0xFFFFFEF7, lr;
	s5 =	simm.s32 $0xFFFFFFFF;
	p2 =	slt.u32 s8, $0xFFFFF086  }
0x1c: {  	p1 =	slt.u32 s9, $0xF7A;
	s5 =	simm.s32 @!p2 $0x0  }
0x1d: {  	s5 =	simm.s32 @p1 $0x1;
	p0 =	seq.s32 s7, s2  }
0x1e: {  	s7 =	smul.u32 @!p0 $0xF7A, s2;
	p2 =	seq.s32 @!p0 s5, $0x0  }
0x1f: {  	s9 =	smul.u32 $0xF7A, s1;
	s8 =	simm.s32 @!p0 $0x1BF5;
	p2 =	por !p2, p0  }
0x20: {  	[sflag:s8] =	ssyncset.s32 @!p0 $0xFFFFF086;
	s6 =	sadd.s32 @!p0 s3, s7;
	s7 =	simm.s32 @!p0 $0x108  }
0x21: {  	s3 =	sadd.s32 s3, s9;
	s6 =	sadd.s32 @!p0 $0x88, s6;
	s7 =	simm.s32 @p2 $0x1082  }
0x22: {  	[simem:s7], [sflag:s8] =	dma.local @!p0 [hbm:s6], $0xF7A  }
0x23: {  	s9 =	sor.u32 $0xD0000000, s2;
	s6 =	simm.s32 $0x108;
	_ =	swait.ge @!p0 [sflag:s8], $0x0  }
0x24: {  	s3 =	sadd.s32 $0x88, s3;
	s6 =	simm.s32 @!p1 $0x1082;
	[sflag:s4] =	ssyncset.s32 $0xFFFFF086  }
0x25: {  	[simem:s6], [sflag:s4] =	dma.local [hbm:s3], $0xF7A  }
0x26: {  	[smem:$0x3F8F] =	sst s1;
	(tag) =	ssettag s2;
	_ =	strace s9  }
0x27: {  	s1 =	sld [smem:$0x3F9F]  }
0x28: {  	s2 =	sld [smem:$0x3FA0]  }
0x29: {  	s4 =	sld [smem:$0x3FA2]  }
0x2a: {  	p0 =	seq.s32 s5, $0x0;
	s5 =	sld [smem:$0x3FA3]  }
0x2b: {  	s6 =	sld [smem:$0x3FA4]  }
0x2c: {  	s7 =	sld [smem:$0x3FA5]  }
0x2d: {  	s3 =	simm.s32 $0x108;
	s8 =	sld [smem:$0x3FA6]  }
0x2e: {  	s3 =	simm.s32 @!p0 $0x1082;
	s9 =	sld [smem:$0x3FA7]  }
0x2f: {  	lr =	sadd.s32 s0, s3;
	s0 =	sld [smem:$0x3F9E]  }
0x30: {  	s3 =	sld [smem:$0x3FA1]  }
0x31: {  	[smem:$0x3FAA] =	sst s10  }
0x32: {  	s10 =	sld [smem:$0x3FA8];
	_ =	sdelay $0x3  }
0x33: {  	p0 =	seq.s32 s10, $0x1;
	s10 =	sld [smem:$0x3FAA];
	_ =	sdelay $0x3  }
0x34: {  	[smem:$0x3FAA] =	sst s10  }
0x35: {  	s10 =	sld [smem:$0x3FA9];
	_ =	sdelay $0x3  }
0x36: {  	p1 =	seq.s32 s10, $0x1;
	s10 =	sld [smem:$0x3FAA];
	_ =	sdelay $0x3  }
0x37: {  	[smem:$0x3FAA] =	sst s10  }
0x38: {  	s10 =	sld [smem:$0x3FAB]  }
0x39: {  	_ = 	snop;
	(pc) =	sbr.ind lr, $3  }
0x3a: {  	_ = 	snop  }
0x3b: {  	_ = 	snop  }
0x3c: {  	p2 =	seq.s32 s10, $0x1;
	s10 =	sld [smem:$0x3FAA]  }
0x3d: {  	_ =	shalt  }
0x3e: {  	_ =	shalt  }
0x3f: {  	_ =	shalt  }
0x40: {  	_ =	shalt  }
0x41: {  	_ =	shalt  }
0x42: {  	_ =	shalt  }
0x43: {  	_ =	shalt  }
0x44: {  	_ =	shalt  }
0x45: {  	_ =	shalt  }
0x46: {  	_ =	shalt  }
0x47: {  	_ =	shalt  }
0x48: {  	_ =	shalt  }
0x49: {  	_ =	shalt  }
0x4a: {  	_ =	shalt  }
0x4b: {  	_ =	shalt  }
0x4c: {  	_ =	shalt  }
0x4d: {  	_ =	shalt  }
0x4e: {  	_ =	shalt  }
0x4f: {  	_ =	shalt  }
0x50: {  	_ =	shalt  }
0x51: {  	_ =	shalt  }
0x52: {  	_ =	shalt  }
0x53: {  	_ =	shalt  }
0x54: {  	_ =	shalt  }
0x55: {  	_ =	shalt  }
0x56: {  	_ =	shalt  }
0x57: {  	_ =	shalt  }
0x58: {  	_ =	shalt  }
0x59: {  	_ =	shalt  }
0x5a: {  	_ =	shalt  }
0x5b: {  	_ =	shalt  }
0x5c: {  	_ =	shalt  }
0x5d: {  	_ =	shalt  }
0x5e: {  	_ =	shalt  }
0x5f: {  	_ =	shalt  }
0x60: {  	_ =	shalt  }
0x61: {  	_ =	shalt  }
0x62: {  	_ =	shalt  }
0x63: {  	_ =	shalt  }
0x64: {  	_ =	shalt  }
0x65: {  	_ =	shalt  }
0x66: {  	_ =	shalt  }
0x67: {  	_ =	shalt  }
0x68: {  	_ =	shalt  }
0x69: {  	_ =	shalt  }
0x6a: {  	_ =	shalt  }
0x6b: {  	_ =	shalt  }
0x6c: {  	_ =	shalt  }
0x6d: {  	_ =	shalt  }
0x6e: {  	_ =	shalt  }
0x6f: {  	_ =	shalt  }
0x70: {  	_ =	shalt  }
0x71: {  	_ =	shalt  }
0x72: {  	_ =	shalt  }
0x73: {  	_ =	shalt  }
0x74: {  	_ =	shalt  }
0x75: {  	_ =	shalt  }
0x76: {  	_ =	shalt  }
0x77: {  	_ =	shalt  }
0x78: {  	_ =	shalt  }
0x79: {  	_ =	shalt  }
0x7a: {  	_ =	shalt  }
0x7b: {  	_ =	shalt  }
0x7c: {  	_ =	shalt  }
0x7d: {  	_ =	shalt  }
0x7e: {  	_ =	shalt  }
0x7f: {  	_ =	shalt  }
0x80: {  	_ =	shalt  }
0x81: {  	_ =	shalt  }
0x82: {  	_ =	shalt  }
0x83: {  	_ =	shalt  }
0x84: {  	_ =	shalt  }
0x85: {  	_ =	shalt  }
0x86: {  	_ =	shalt  }
0x87: {  	_ =	shalt  }
.Lfunc_end0:
.L_simem_size_0:
called_computation_lowered:
.L_overlay_start_0:
0x88: {  	s2 =	sld [smem:$0x3FD9]  }
0x89: {  	s3 =	sld [smem:$0x3FFE];
	_ =	sdelay $0x1  }
0x8a: {  	s1 =	srdreg.scid  }
0x8b: {  	s0 =	sand.u32 $0x1, s1  }
0x8c: {  	s16 =	sshll.u32 s0, $0xA;
	s2 =	sadd.s32 s3, s2  }
0x8d: {  	s2 =	sadd.s32 s2, s16  }
0x8e: {  	[smem:$0x3FB6] =	sst s2  }
0x8f: {  	_ = 	snop  }
0x90: {  	(tm) =	ssettm $0x1  }
0x91: {  	s17 =	sld [smem:$0x3FFB];
	_ =	sdelay $0x3  }
0x92: {  	_ =	strace s17  }
0x93: {  	s2 =	sld [smem:$0x3FFC];
	_ =	sdelay $0x3  }
0x94: {  	_ =	strace s2  }
0x95: {  	s2 =	sld [smem:$0x3FFD];
	_ =	sdelay $0x3  }
0x96: {  	_ =	strace s2  }
0x97: {  	_ =	strace $0x8FFFFFFF  }
0x98: {  	s18 =	sld [smem:$0x3FDB];
	_ =	sdelay $0x1  }
0x99: {  	s19 =	simm.s32 $_scs_section_size  }
0x9a: {  	s4 =	simm.s32 $_size__tile_overlayer_lowered;
	s5 =	simm.s32 $_tile_overlayer_lowered  }
0x9b: {  	s22 =	simm.s32 $0x1BFF;
	s21 =	sshll.u32 s5, $0x1;
	s2 =	sadd.s32 s19, s18  }
0x9c: {  	s6 =	simm.s32 $0x0;
	s20 =	sshll.u32 s4, $0x1;
	s4 =	sadd.s32 s21, s2  }
0x9d: {  	[timem:s6], [sflag:s22] =	dma.local [hbm:s4], s20  }
0x9e: {  	_ =	swait.ge [sflag:s22], s20  }
0x9f: {  	s3 =	ssub.s32 $0x0, s20;
	[sflag:s22] =	ssyncset.done $0x0  }
0xa0: {  	[sflag:s22] =	ssyncadd.s32 s3;
	_ =	sdelay $0x1  }
0xa1: {  	s23 =	simm.s32 $0x1B8B  }
0xa2: {  	_ =	swait.ge [sflag:s23], $0x1  }
0xa3: {  	[sflag:s23] =	ssyncset.done $0x0  }
0xa4: {  	s25 =	simm.s32 $0x1B8E;
	s24 =	sld [smem:$0x3FFE];
	[sflag:s23] =	ssyncadd.s32 $0xFFFFFFFF  }
0xa5: {  	s26 =	simm.s32 $execute0_lowered;
	[smem:$0x3FD2] =	sst s25  }
0xa6: {  	s4 =	sshll.u32 s26, $0x1;
	_ =	strace $0x80000046;
	[dreg:$0x1] =	wrdreg $0xFFFFFFFF  }
0xa7: {  	s28 =	simm.s32 $_size_execute0_lowered;
	s2 =	sadd.s32 s2, s4;
	[dreg:$0x0] =	wrdreg $0x0  }
0xa8: {  	s4 =	sshll.u32 s28, $0x1;
	[dreg:$0x2] =	wrdreg s2  }
0xa9: {  	[dreg:$0x3] =	wrdreg s4  }
0xaa: {  	[dreg:$0x4] =	wrdreg $0xC0  }
0xab: {  	_ =	task [dreg:s6], $0x5FFFF  }
0xac: {  	[dreg:$0x1] =	wrdreg $0xFFFFFFFF  }
0xad: {  	[dreg:$0x0] =	wrdreg $0x60  }
0xae: {  	[dreg:$0x2] =	wrdreg s24  }
0xaf: {  	[dreg:$0x3] =	wrdreg $0x9  }
0xb0: {  	_ =	task.clear_ibuf [dreg:s6], $0x4FFFF;
	_ =	strace $0x90000046  }
0xb1: {  	s29 =	simm.s32 $0x9;
	_ =	strace $0x80000048  }
0xb2: {  	_ =	swait.ge [sflag:s29], $0x1  }
0xb3: {  	[sflag:s29] =	ssyncadd.s32 $0xFFFFFFFF  }
0xb4: {  	_ =	strace $0x90000048  }
0xb5: {  	_ =	sfence  }
0xb6: {  	s30 =	sld [smem:$0x0];
	_ =	sdelay $0x2  }
0xb7: {  	s31 =	sshll.u32 s1, $0xD;
	s1 =	sshrl.u32 s1, $0x2  }
0xb8: {  	s3 =	sand.u32 $0x4000, s31;
	s1 =	sadd.s32 s1, s30  }
0xb9: {  	s0 =	sor.u32 s3, s0;
	s1 =	sshll.u32 s1, $0x11  }
0xba: {  	s0 =	sor.u32 s1, s0  }
0xbb: {  	s0 =	sadd.s32 $0x8F2B, s0  }
0xbc: {  	[sflag:s0] =	ssyncadd.remote.s32 $0x1  }
0xbd: {  	_ =	sfence.sel $0xFFFF  }
0xbe: {  	[dreg:$0x0] =	wrdreg $0xFFFFFFFF;
	(pc) =	sbr.abs _section_cstart, $3  }
0xbf: {  	[dreg:$0x1] =	wrdreg $0xFFFFFFFF  }
0xc0: {  	_ =	task.clear_ibuf [dreg:s6], $0x2FFFF;
	_ =	strace $0x9FFFFFFF  }
0xc1: {  	(tm) =	ssettm $0x7FFFFFFF  }
tec
execute0_lowered:
.L_overlay_start_1:
0x0: {  	(tag) =	ssettag $0x1  }
0x1: {  	s0 =	rddreg [dreg:$0x0];
	s2 =	simm.s32 $0x0;
	s1 =	srdreg.scid  }
0x2: {  	s12 =	stileid.u32;
	s18 =	simm.s32 $0x300;
	s19 =	simm.s32 $0x180  }
0x3: {  	s28 =	simm.s32 $0x6600;
	s29 =	simm.s32 $0x12600;
	s30 =	simm.s32 $0x3  }
0x4: {  	s31 =	simm.s32 $0x4;
	[smem:$0x7FF] =	sst s2;
	s1 =	sand.u32 $0x1, s1  }
0x5: {  	s3 =	sshll.u32 s12, $0x1;
	s4 =	sadd.s32 $0x8800, s0;
	s16 =	smul.u32 $0x30000, s12  }
0x6: {  	s5 =	sadd.s32 $0x2800, s0;
	s15 =	sadd.s32 $0x24C800, s0;
	s23 =	smul.u32 $0x3000, s12  }
0x7: {  	_ =	strace $0x80000047;
	s6 =	sor.u32 s1, s3;
	s17 =	smul.u32 $0x1800, s1  }
0x8: {  	s3 =	sadd.s32 $0x189200, s0;
	s8 =	ssub.s32 $0x2, s1;
	s7 =	smul.u32 $0x1800, s6  }
0x9: {  	s0 =	sadd.s32 $0x24C808, s0;
	s9 =	sshrl.u32 s8, $0x1;
	s6 =	smul.u32 $0x18000, s6  }
0xa: {  	s24 =	smul.u32 $0x18000, s1;
	s25 =	sadd.s32 s16, s15;
	s8 =	ssub.s32 s8, s9  }
0xb: {  	s10 =	sshrl.u32 s7, $0x3;
	s22 =	sadd.s32 s15, s6;
	s7 =	sor.u32 $0x180, s7  }
0xc: {  	s6 =	sadd.s32 s6, s0;
	s14 =	smax.u32 s8, $0x1;
	s20 =	sadd.s32 s4, s10  }
0xd: {  	s21 =	sadd.s32 s5, s10;
	[dreg:$0x5] =	wrdreg s22;
	s11 =	sshrl.u32 s7, $0x3  }
0xe: {  	[dreg:$0x6] =	wrdreg s6;
	s7 =	sshll.u32 s7, $0x4;
	s6 =	sadd.s32 s17, s23  }
0xf: {  	s17 =	simm.s32 $0x5;
	s22 =	simm.s32 $0x1;
	[dreg:$0x3] =	wrdreg s20  }
0x10: {  	s23 =	simm.s32 $0x2;
	[dreg:$0x4] =	wrdreg s21;
	s10 =	sadd.s32 s4, s11  }
0x11: {  	s11 =	sadd.s32 s5, s11;
	s12 =	sadd.s32 s15, s7;
	s13 =	sadd.s32 s7, s0  }
0x12: {  	s0 =	sadd.s32 s24, s25;
	s26 =	sor.u32 $0x300, s6;
	s6 =	sor.u32 $0x480, s6  }
0x13: {  	s20 =	simm.s32 $0x600;
	s21 =	simm.s32 $0xC600;
	s24 =	simm.s32 $0x40  }
0x14: {  	s25 =	simm.s32 $0x80;
	[dreg:$0x2] =	wrdreg s0;
	s15 =	sshrl.u32 s26, $0x3  }
0x15: {  	s16 =	sshrl.u32 s6, $0x3;
	s26 =	simm.s32 $0x480;
	s0 =	simm.s32 $0x0  }
.LBB2_1:
0x16: {  	s1 =	rddreg [dreg:$0x3]  }
0x17: {  	[tilespmem:s2], [sflag:$0x5] =	stream.linear.gather [hbm4b:s1+s2], $0x180, $0x38;
	[tilespmem:$0x18600] =	vst v63  }
0x18: {  	_ =	swait.ge [sflag:s17], $0x180  }
0x19: {  	[sflag:s17] =	ssyncset.done $0x0  }
0x1a: {  	s7 =	rddreg [dreg:$0x4];
	[sflag:s17] =	ssyncadd.s32 $0xFFFFFE80  }
0x1b: {  	[tilespmem:s18], [sflag:$0x5] =	stream.linear.gather [hbm4b:s7+s2], $0x180, $0x38;
	[tilespmem:$0x18600] =	vst v63  }
0x1c: {  	_ =	swait.ge [sflag:s17], $0x180  }
0x1d: {  	[sflag:s17] =	ssyncset.done $0x0  }
0x1e: {  	[sflag:s17] =	ssyncadd.s32 $0xFFFFFE80  }
0x1f: {  	[tilespmem:s20], [sflag:$0x1] =	stream.indirect.gather [hbm4b:s3+s19], $0x40, s2, s19, $0xb8;
	[tilespmem:$0x18600] =	vst v63  }
0x20: {  	_ = 	snop  }
0x21: {  	[tilespmem:s21], [sflag:$0x2] =	stream.indirect.gather [hbm4b:s3+s19], $0x40, s18, s19, $0xb8;
	[tilespmem:$0x18600] =	vst v63  }
0x22: {  	_ =	swait.ge [sflag:s22], $0x6000  }
0x23: {  	[sflag:s22] =	ssyncset.done $0x0  }
0x24: {  	[sflag:s22] =	ssyncadd.s32 $0xFFFFA000  }
0x25: {  	_ =	swait.ge [sflag:s23], $0x6000  }
0x26: {  	[sflag:s23] =	ssyncset.done $0x0  }
0x27: {  	s8 =	rddreg [dreg:$0x5];
	[sflag:s23] =	ssyncadd.s32 $0xFFFFA000  }
0x28: {  	[hbm4b:s8+s24] =	stream.strided.scatter [tilespmem:s20], [sflag:$0x3], $0x6000, s25, s24, $0x38;
	[tilespmem:$0x18600] =	vst v63  }
0x29: {  	s9 =	rddreg [dreg:$0x6]  }
0x2a: {  	[hbm4b:s9+s24] =	stream.strided.scatter [tilespmem:s21], [sflag:$0x3], $0x6000, s25, s24, $0x38;
	[tilespmem:$0x18600] =	vst v63  }
0x2b: {  	_ = 	snop  }
0x2c: {  	[tilespmem:s19], [sflag:$0x5] =	stream.linear.gather [hbm4b:s10+s2], $0x180, $0x38;
	[tilespmem:$0x18600] =	vst v63  }
0x2d: {  	_ =	swait.ge [sflag:s17], $0x180  }
0x2e: {  	[sflag:s17] =	ssyncset.done $0x0  }
0x2f: {  	[sflag:s17] =	ssyncadd.s32 $0xFFFFFE80  }
0x30: {  	[tilespmem:s26], [sflag:$0x5] =	stream.linear.gather [hbm4b:s11+s2], $0x180, $0x38;
	[tilespmem:$0x18600] =	vst v63  }
0x31: {  	_ =	swait.ge [sflag:s17], $0x180  }
0x32: {  	[sflag:s17] =	ssyncset.done $0x0  }
0x33: {  	[sflag:s17] =	ssyncadd.s32 $0xFFFFFE80  }
0x34: {  	[tilespmem:s28], [sflag:$0x1] =	stream.indirect.gather [hbm4b:s3+s19], $0x40, s19, s19, $0xb8;
	[tilespmem:$0x18600] =	vst v63  }
0x35: {  	_ = 	snop  }
0x36: {  	[tilespmem:s29], [sflag:$0x2] =	stream.indirect.gather [hbm4b:s3+s19], $0x40, s26, s19, $0xb8;
	[tilespmem:$0x18600] =	vst v63  }
0x37: {  	_ =	swait.ge [sflag:s22], $0x6000  }
0x38: {  	[sflag:s22] =	ssyncset.done $0x0  }
0x39: {  	[sflag:s22] =	ssyncadd.s32 $0xFFFFA000  }
0x3a: {  	_ =	swait.ge [sflag:s23], $0x6000  }
0x3b: {  	[sflag:s23] =	ssyncset.done $0x0  }
0x3c: {  	[sflag:s23] =	ssyncadd.s32 $0xFFFFA000  }
0x3d: {  	[hbm4b:s12+s24] =	stream.strided.scatter [tilespmem:s28], [sflag:$0x4], $0x6000, s25, s24, $0x38;
	[tilespmem:$0x18600] =	vst v63  }
0x3e: {  	_ = 	snop  }
0x3f: {  	[hbm4b:s13+s24] =	stream.strided.scatter [tilespmem:s29], [sflag:$0x4], $0x6000, s25, s24, $0x38;
	[tilespmem:$0x18600] =	vst v63  }
0x40: {  	s6 =	sadd.s32 s4, s15  }
0x41: {  	[tilespmem:s2], [sflag:$0x5] =	stream.linear.gather [hbm4b:s6+s2], $0x180, $0x38;
	[tilespmem:$0x18600] =	vst v63  }
0x42: {  	_ =	swait.ge [sflag:s17], $0x180  }
0x43: {  	[sflag:s17] =	ssyncset.done $0x0  }
0x44: {  	s7 =	sadd.s32 s5, s15;
	[sflag:s17] =	ssyncadd.s32 $0xFFFFFE80  }
0x45: {  	[tilespmem:s18], [sflag:$0x5] =	stream.linear.gather [hbm4b:s7+s2], $0x180, $0x38;
	[tilespmem:$0x18600] =	vst v63  }
0x46: {  	_ =	swait.ge [sflag:s17], $0x180  }
0x47: {  	[sflag:s17] =	ssyncset.done $0x0  }
0x48: {  	[sflag:s17] =	ssyncadd.s32 $0xFFFFFE80  }
0x49: {  	_ =	swait.ge [sflag:s30], $0x6000  }
0x4a: {  	[sflag:s30] =	ssyncset.done $0x0  }
0x4b: {  	[sflag:s30] =	ssyncadd.s32 $0xFFFFA000  }
0x4c: {  	_ =	swait.ge [sflag:s30], $0x6000  }
0x4d: {  	[sflag:s30] =	ssyncset.done $0x0  }
0x4e: {  	[sflag:s30] =	ssyncadd.s32 $0xFFFFA000  }
0x4f: {  	[tilespmem:s20], [sflag:$0x1] =	stream.indirect.gather [hbm4b:s3+s19], $0x40, s2, s19, $0xb8;
	[tilespmem:$0x18600] =	vst v63  }
0x50: {  	_ = 	snop  }
0x51: {  	[tilespmem:s21], [sflag:$0x2] =	stream.indirect.gather [hbm4b:s3+s19], $0x40, s18, s19, $0xb8;
	[tilespmem:$0x18600] =	vst v63  }
0x52: {  	_ =	swait.ge [sflag:s22], $0x6000  }
0x53: {  	[sflag:s22] =	ssyncset.done $0x0  }
0x54: {  	[sflag:s22] =	ssyncadd.s32 $0xFFFFA000  }
0x55: {  	_ =	swait.ge [sflag:s23], $0x6000  }
0x56: {  	s8 =	rddreg [dreg:$0x2]  }
0x57: {  	[sflag:s23] =	ssyncset.done $0x0;
	s6 =	sadd.s32 $0x0, s8  }
0x58: {  	[sflag:s23] =	ssyncadd.s32 $0xFFFFA000;
	s1 =	sadd.s32 $0x3000, s6  }
0x59: {  	[hbm4b:s1+s24] =	stream.strided.scatter [tilespmem:s20], [sflag:$0x3], $0x6000, s25, s24, $0x38;
	[tilespmem:$0x18600] =	vst v63  }
0x5a: {  	s9 =	sadd.s32 $0x3008, s6  }
0x5b: {  	[hbm4b:s9+s24] =	stream.strided.scatter [tilespmem:s21], [sflag:$0x3], $0x6000, s25, s24, $0x38;
	[tilespmem:$0x18600] =	vst v63  }
0x5c: {  	s7 =	sadd.s32 s4, s16  }
0x5d: {  	[tilespmem:s19], [sflag:$0x5] =	stream.linear.gather [hbm4b:s7+s2], $0x180, $0x38;
	[tilespmem:$0x18600] =	vst v63  }
0x5e: {  	_ =	swait.ge [sflag:s17], $0x180  }
0x5f: {  	[sflag:s17] =	ssyncset.done $0x0  }
0x60: {  	s8 =	sadd.s32 s5, s16;
	[sflag:s17] =	ssyncadd.s32 $0xFFFFFE80  }
0x61: {  	[tilespmem:s26], [sflag:$0x5] =	stream.linear.gather [hbm4b:s8+s2], $0x180, $0x38;
	[tilespmem:$0x18600] =	vst v63  }
0x62: {  	_ =	swait.ge [sflag:s17], $0x180  }
0x63: {  	[sflag:s17] =	ssyncset.done $0x0  }
0x64: {  	[sflag:s17] =	ssyncadd.s32 $0xFFFFFE80  }
0x65: {  	_ =	swait.ge [sflag:s31], $0x6000  }
0x66: {  	[sflag:s31] =	ssyncset.done $0x0  }
0x67: {  	[sflag:s31] =	ssyncadd.s32 $0xFFFFA000  }
0x68: {  	_ =	swait.ge [sflag:s31], $0x6000  }
0x69: {  	[sflag:s31] =	ssyncset.done $0x0  }
0x6a: {  	[sflag:s31] =	ssyncadd.s32 $0xFFFFA000  }
0x6b: {  	[tilespmem:s28], [sflag:$0x1] =	stream.indirect.gather [hbm4b:s3+s19], $0x40, s19, s19, $0xb8;
	[tilespmem:$0x18600] =	vst v63  }
0x6c: {  	_ = 	snop  }
0x6d: {  	[tilespmem:s29], [sflag:$0x2] =	stream.indirect.gather [hbm4b:s3+s19], $0x40, s26, s19, $0xb8;
	[tilespmem:$0x18600] =	vst v63  }
0x6e: {  	_ =	swait.ge [sflag:s22], $0x6000  }
0x6f: {  	[sflag:s22] =	ssyncset.done $0x0  }
0x70: {  	[sflag:s22] =	ssyncadd.s32 $0xFFFFA000  }
0x71: {  	s1 =	simm.s32 $0x3000;
	_ =	swait.ge [sflag:s23], $0x6000  }
0x72: {  	s9 =	sadd.s32 $0x4800, s6;
	s7 =	sadd.s32 $0x60, s4;
	[sflag:s23] =	ssyncset.done $0x0  }
0x73: {  	s8 =	sadd.s32 $0x4808, s6;
	s6 =	sadd.s32 $0x60, s5;
	[sflag:s23] =	ssyncadd.s32 $0xFFFFA000  }
0x74: {  	[hbm4b:s9+s24] =	stream.strided.scatter [tilespmem:s28], [sflag:$0x4], $0x6000, s25, s24, $0x38;
	[tilespmem:$0x18600] =	vst v63  }
.LBB2_2:
0x75: {  	[hbm4b:s8+s24] =	stream.strided.scatter [tilespmem:s29], [sflag:$0x4], $0x6000, s25, s24, $0x38;
	[tilespmem:$0x18600] =	vst v63  }
0x76: {  	s9 =	sadd.s32 s7, s15  }
0x77: {  	[tilespmem:s2], [sflag:$0x5] =	stream.linear.gather [hbm4b:s9+s2], $0x180, $0x38;
	[tilespmem:$0x18600] =	vst v63  }
0x78: {  	_ =	swait.ge [sflag:s17], $0x180  }
0x79: {  	[sflag:s17] =	ssyncset.done $0x0  }
0x7a: {  	s9 =	sadd.s32 s6, s15;
	[sflag:s17] =	ssyncadd.s32 $0xFFFFFE80  }
0x7b: {  	[tilespmem:s18], [sflag:$0x5] =	stream.linear.gather [hbm4b:s9+s2], $0x180, $0x38;
	[tilespmem:$0x18600] =	vst v63  }
0x7c: {  	_ =	swait.ge [sflag:s17], $0x180  }
0x7d: {  	[sflag:s17] =	ssyncset.done $0x0  }
0x7e: {  	[sflag:s17] =	ssyncadd.s32 $0xFFFFFE80  }
0x7f: {  	_ =	swait.ge [sflag:s30], $0x6000  }
0x80: {  	[sflag:s30] =	ssyncset.done $0x0  }
0x81: {  	[sflag:s30] =	ssyncadd.s32 $0xFFFFA000  }
0x82: {  	_ =	swait.ge [sflag:s30], $0x6000  }
0x83: {  	[sflag:s30] =	ssyncset.done $0x0  }
0x84: {  	[sflag:s30] =	ssyncadd.s32 $0xFFFFA000  }
0x85: {  	[tilespmem:s20], [sflag:$0x1] =	stream.indirect.gather [hbm4b:s3+s19], $0x40, s2, s19, $0xb8;
	[tilespmem:$0x18600] =	vst v63  }
0x86: {  	_ = 	snop  }
0x87: {  	[tilespmem:s21], [sflag:$0x2] =	stream.indirect.gather [hbm4b:s3+s19], $0x40, s18, s19, $0xb8;
	[tilespmem:$0x18600] =	vst v63  }
0x88: {  	_ =	swait.ge [sflag:s22], $0x6000  }
0x89: {  	[sflag:s22] =	ssyncset.done $0x0  }
0x8a: {  	[sflag:s22] =	ssyncadd.s32 $0xFFFFA000  }
0x8b: {  	_ =	swait.ge [sflag:s23], $0x6000  }
0x8c: {  	s8 =	smov.u32 s1;
	s9 =	rddreg [dreg:$0x2]  }
0x8d: {  	[sflag:s23] =	ssyncset.done $0x0;
	s8 =	sadd.s32 s8, s9  }
0x8e: {  	[sflag:s23] =	ssyncadd.s32 $0xFFFFA000;
	s9 =	sadd.s32 $0x3000, s8  }
0x8f: {  	[hbm4b:s9+s24] =	stream.strided.scatter [tilespmem:s20], [sflag:$0x3], $0x6000, s25, s24, $0x38;
	[tilespmem:$0x18600] =	vst v63  }
0x90: {  	s9 =	sadd.s32 $0x3008, s8  }
0x91: {  	[hbm4b:s9+s24] =	stream.strided.scatter [tilespmem:s21], [sflag:$0x3], $0x6000, s25, s24, $0x38;
	[tilespmem:$0x18600] =	vst v63  }
0x92: {  	s9 =	sadd.s32 s7, s16  }
0x93: {  	[tilespmem:s19], [sflag:$0x5] =	stream.linear.gather [hbm4b:s9+s2], $0x180, $0x38;
	[tilespmem:$0x18600] =	vst v63  }
0x94: {  	_ =	swait.ge [sflag:s17], $0x180  }
0x95: {  	[sflag:s17] =	ssyncset.done $0x0  }
0x96: {  	s9 =	sadd.s32 s6, s16;
	[sflag:s17] =	ssyncadd.s32 $0xFFFFFE80  }
0x97: {  	[tilespmem:s26], [sflag:$0x5] =	stream.linear.gather [hbm4b:s9+s2], $0x180, $0x38;
	[tilespmem:$0x18600] =	vst v63  }
0x98: {  	_ =	swait.ge [sflag:s17], $0x180  }
0x99: {  	[sflag:s17] =	ssyncset.done $0x0  }
0x9a: {  	[sflag:s17] =	ssyncadd.s32 $0xFFFFFE80  }
0x9b: {  	_ =	swait.ge [sflag:s31], $0x6000  }
0x9c: {  	[sflag:s31] =	ssyncset.done $0x0  }
0x9d: {  	[sflag:s31] =	ssyncadd.s32 $0xFFFFA000  }
0x9e: {  	_ =	swait.ge [sflag:s31], $0x6000  }
0x9f: {  	[sflag:s31] =	ssyncset.done $0x0  }
0xa0: {  	[sflag:s31] =	ssyncadd.s32 $0xFFFFA000  }
0xa1: {  	[tilespmem:s28], [sflag:$0x1] =	stream.indirect.gather [hbm4b:s3+s19], $0x40, s19, s19, $0xb8;
	[tilespmem:$0x18600] =	vst v63  }
0xa2: {  	_ = 	snop  }
0xa3: {  	[tilespmem:s29], [sflag:$0x2] =	stream.indirect.gather [hbm4b:s3+s19], $0x40, s26, s19, $0xb8;
	[tilespmem:$0x18600] =	vst v63  }
0xa4: {  	_ =	swait.ge [sflag:s22], $0x6000  }
0xa5: {  	p0 =	sne.s32 s1, $0x12000;
	[sflag:s22] =	ssyncset.done $0x0  }
.Ltmp0:
0xa6: {  	[sflag:s22] =	ssyncadd.s32 $0xFFFFA000;
	(pc) =	sbr.rel @p0 .LBB2_2-.Ltmp0, $4  }
0xa7: {  	s1 =	sadd.s32 $0x3000, s1;
	_ =	swait.ge [sflag:s23], $0x6000  }
0xa8: {  	s7 =	sadd.s32 $0x60, s7;
	s6 =	sadd.s32 $0x60, s6;
	[sflag:s23] =	ssyncset.done $0x0  }
0xa9: {  	s9 =	sadd.s32 $0x4800, s8;
	s8 =	sadd.s32 $0x4808, s8;
	[sflag:s23] =	ssyncadd.s32 $0xFFFFA000  }
0xaa: {  	[hbm4b:s9+s24] =	stream.strided.scatter [tilespmem:s28], [sflag:$0x4], $0x6000, s25, s24, $0x38;
	[tilespmem:$0x18600] =	vst v63  }
0xab: {  	[hbm4b:s8+s24] =	stream.strided.scatter [tilespmem:s29], [sflag:$0x4], $0x6000, s25, s24, $0x38;
	[tilespmem:$0x18600] =	vst v63  }
0xac: {  	_ =	swait.ge [sflag:s30], $0x6000  }
0xad: {  	[sflag:s30] =	ssyncset.done $0x0  }
0xae: {  	[sflag:s30] =	ssyncadd.s32 $0xFFFFA000  }
0xaf: {  	_ =	swait.ge [sflag:s30], $0x6000  }
0xb0: {  	[sflag:s30] =	ssyncset.done $0x0  }
0xb1: {  	s0 =	sadd.s32 $0x1, s0;
	[sflag:s30] =	ssyncadd.s32 $0xFFFFA000  }
0xb2: {  	p0 =	sne.s32 s0, s14;
	_ =	swait.ge [sflag:s31], $0x6000  }
.Ltmp1:
0xb3: {  	[sflag:s31] =	ssyncset.done $0x0;
	(pc) =	sbr.rel @p0 .LBB2_1-.Ltmp1, $4  }
0xb4: {  	[sflag:s31] =	ssyncadd.s32 $0xFFFFA000  }
0xb5: {  	_ =	swait.ge [sflag:s31], $0x6000  }
0xb6: {  	[sflag:s31] =	ssyncset.done $0x0  }
0xb7: {  	[sflag:s31] =	ssyncadd.s32 $0xFFFFA000  }
0xb8: {  	_ =	sfence.sel $0x180000  }
0xb9: {  	[bflag:$0x0] =	sbarrier.arrive $0xFFFF  }
0xba: {  	_ =	strace $0x90000047  }
0xbb: {  	s0 =	stileid.u32;
	[bflag:$0x2] =	sbarrier.arrive $0xFFFF  }
0xbc: {  	p0 =	sne.s32 s0, $0x0;
	s0 =	rddreg [dreg:$0x1]  }
0xbd: {  	s0 =	sadd.s32 @!p0 $0x100000, s0  }
0xbe: {  	[sflag:s0] =	ssyncadd.tile.s32 @!p0 $0x1;
	_ =	shalt  }
.Lfunc_end2:
_tile_overlayer_lowered:
.L_overlay_start_2:
0xbf: {  	(tag) =	ssettag $0x2  }
0xc0: {  	s0 =	rddreg [dreg:$0x0];
	s2 =	stileid.u32  }
0xc1: {  	s1 =	rddreg [dreg:$0x1];
	p0 =	sne.s32 s2, $0x0  }
0xc2: {  	s3 =	rddreg [dreg:$0x2];
	[bflag:$0x3] =	sbarrier.arrive $0xFFFF;
	s2 =	simm.s32 @!p0 $0x1C05  }
0xc3: {  	[timem:s3], [sflag:s2] =	dma.local @!p0 [hbm:s0], s1  }
0xc4: {  	s0 =	simm.s32 @!p0 $0x5  }
0xc5: {  	_ =	swait.ge @!p0 [sflag:s0], s1  }
0xc6: {  	s1 =	ssub.s32 @!p0 $0x0, s1;
	[sflag:s0] =	ssyncset.done @!p0 $0x0  }
0xc7: {  	[sflag:s0] =	ssyncadd.s32 @!p0 s1  }
0xc8: {  	[bflag:$0x3] =	sbarrier.arrive $0xFFFF  }
0xc9: {  	_ =	shalt  }

</sc_bundles>
